<compile_context>
chip_gen: v7x
topology: tpu7x:2x2x1
jax: 0.10.2.dev20260603
libtpu: 0.0.44.dev20260713+nightly
codegen_flags: <defaults>
</compile_context>

<pallas_src>
import jax
import jax.numpy as jnp
from jax import lax
from jax.experimental import pallas as pl
from jax.experimental.pallas import tpu as pltpu
from jax.experimental.pallas import tpu_sc as plsc

NC, NS, L = 2, 16, 16
NW = NC * NS
B, LEN, V, D = 16384, 200, 10, 10
BAGS_PER_W = B // NW
GROUPS = BAGS_PER_W // L
XW = BAGS_PER_W * LEN
CSTRIDE = 17
CSLICE = L * CSTRIDE + L
KU = 20
WPAD = 128
WOFF = 8


def _sc_body(x_hbm, w_hbm, out_hbm, xbuf, wbuf, cnt, outbuf):
    wid = lax.axis_index("s") * NC + lax.axis_index("c")
    base = pl.multiple_of(wid * XW, 8)
    pltpu.sync_copy(x_hbm.at[pl.ds(base, XW)], xbuf)
    pltpu.sync_copy(w_hbm, wbuf)

    lane = lax.iota(jnp.int32, L)
    rowbase = lane * LEN
    lane17 = lane * CSTRIDE
    ones = jnp.ones((L,), jnp.int32)
    zeros = jnp.zeros((L,), jnp.int32)

    @plsc.parallel_loop(0, GROUPS)
    def group(g):
        gbase = g * (L * LEN)
        cbase = g * CSLICE
        for i in range(CSLICE // L):
            cnt[pl.ds(cbase + i * L, L)] = zeros
        cb = cbase + lane17
        xb = rowbase + gbase

        @plsc.parallel_loop(0, LEN, step=KU)
        def step(l):
            idxs = [plsc.load_gather(xbuf, [xb + (l + k)]) for k in range(KU)]
            for k in range(KU):
                plsc.addupdate_scatter(cnt, [idxs[k] + cb], ones)

        accs = [jnp.zeros((L,), jnp.float32) for _ in range(D)]
        for v in range(V):
            cv = plsc.load_gather(cnt, [cb + v])
            cvf = cv.astype(jnp.float32) * (1.0 / LEN)
            for d in range(D):
                wv = plsc.load_gather(
                    wbuf, [jnp.full((L,), WOFF + v * D + d, jnp.int32)])
                accs[d] = accs[d] + cvf * wv
        outaddr = (g * L + lane) * D
        for d in range(D):
            plsc.store_scatter(outbuf, [outaddr + d], accs[d])

    pltpu.sync_copy(outbuf,
                    out_hbm.at[pl.ds(pl.multiple_of(wid * BAGS_PER_W * D, 8),
                                     BAGS_PER_W * D)])


_sc_call = pl.kernel(
    _sc_body,
    out_type=jax.ShapeDtypeStruct((B * D,), jnp.float32),
    mesh=plsc.VectorSubcoreMesh(core_axis_name="c", subcore_axis_name="s"),
    scratch_types=[
        pltpu.VMEM((XW,), jnp.int32),
        pltpu.VMEM((WPAD,), jnp.float32),
        pltpu.VMEM((GROUPS * CSLICE,), jnp.int32),
        pltpu.VMEM((BAGS_PER_W * D,), jnp.float32),
    ],
    compiler_params=pltpu.CompilerParams(needs_layout_passes=False),
)


def kernel(x, weight):
    xf = x.reshape(-1)
    wf = jnp.concatenate(
        [jnp.zeros((WOFF,), jnp.float32), weight.reshape(-1),
         jnp.zeros((WPAD - WOFF - V * D,), jnp.float32)])
    return _sc_call(xf, wf).reshape(B, D)

# --- scband reference (transcript-rebuilt; emitter-appended) ---
"""Pipeline reference for scband-my-model-61933428413958 (READ-ONLY COPY).

The authoritative reference and input builder live on the scoring server;
editing this copy changes nothing except your own understanding.
"""

import jax, jax.numpy as jnp
import numpy as np


def setup_inputs(seed: int = 0) -> dict:
    key = jax.random.key(seed)
    k1, k2 = jax.random.split(key)
    x = jax.random.randint(k1, (16384, 200), 0, 10, dtype=jnp.int32)
    # EmbeddingBag weight: num_embeddings=10, embedding_dim=10
    weight = jax.random.normal(k2, (10, 10), dtype=jnp.float32)
    return {"x": x, "weight": weight}


def reference(x, weight):
    # nn.EmbeddingBag with 2D input and default mode='mean':
    # for each bag (row of x), gather embeddings and take the mean over the bag dim.
    gathered = jnp.take(weight, x, axis=0)  # [B, L, D]
    return gathered.mean(axis=1)            # [B, D]

if __name__ == "__main__":
    import jax
    _d = setup_inputs()
    print(jax.jit(kernel)(*tuple(_d.values())))

</pallas_src>

<mosaic_0001>
#map = affine_map<(d0, d1) -> (0)>
module attributes {stable_mosaic.version = 14 : i64} {
  func.func @_sc_body(%arg0: i32, %arg1: i32, %arg2: memref<3276800xi32, #tpu.memory_space<hbm>>, %arg3: memref<128xf32, #tpu.memory_space<hbm>>, %arg4: memref<163840xf32, #tpu.memory_space<hbm>>, %arg5: memref<102400xi32, #tpu.memory_space<vmem>>, %arg6: memref<128xf32, #tpu.memory_space<vmem>>, %arg7: memref<9216xi32, #tpu.memory_space<vmem>>, %arg8: memref<5120xf32, #tpu.memory_space<vmem>>) attributes {dimension_semantics = [#tpu.dimension_semantics<core_parallel>, #tpu.dimension_semantics<subcore_parallel>], iteration_bounds = array<i64: 2, 16>, scalar_prefetch = 0 : i64, scratch_operands = 4 : i64, tpu.core_type = #tpu.core_type<sc_vector_subcore>, window_params = [{transform_indices = #map}, {transform_indices = #map}, {transform_indices = #map}]} {
    %mul3A = arith.constant 2 : i32
    %mul3A_0 = arith.muli %arg1, %mul3A : i32
    %add3A = arith.addi %mul3A_0, %arg0 : i32
    %mul3A_1 = arith.constant 102400 : i32
    %mul3A_2 = arith.muli %add3A, %mul3A_1 : i32
    %multiple_of3A = tpu.assume_multiple %mul3A_2, 8 : i32
    "tpu.region"() ({
      %run_scoped3A = tpu.sem_alloc : memref<!tpu.dma_semaphore, #tpu.memory_space<semaphore_mem>>
      %dma_start3A = tpu.memref_slice %arg2[%multiple_of3A] : memref<3276800xi32, #tpu.memory_space<hbm>> -> memref<102400xi32, #tpu.memory_space<hbm>>
      %dma_start3A_19 = tpu.memref_slice %arg2[%multiple_of3A] : memref<3276800xi32, #tpu.memory_space<hbm>> -> memref<102400xi32, #tpu.memory_space<hbm>>
      tpu.enqueue_dma source(%dma_start3A_19 : memref<102400xi32, #tpu.memory_space<hbm>>) target(%arg5 : memref<102400xi32, #tpu.memory_space<vmem>>) target_semaphore(%run_scoped3A : memref<!tpu.dma_semaphore, #tpu.memory_space<semaphore_mem>>)
      %dma_wait3A = tpu.memref_slice %arg2[%multiple_of3A] : memref<3276800xi32, #tpu.memory_space<hbm>> -> memref<102400xi32, #tpu.memory_space<hbm>>
      %dma_wait3A_20 = tpu.memref_slice %arg2[%multiple_of3A] : memref<3276800xi32, #tpu.memory_space<hbm>> -> memref<102400xi32, #tpu.memory_space<hbm>>
      tpu.wait_dma2 semaphore(%run_scoped3A : memref<!tpu.dma_semaphore, #tpu.memory_space<semaphore_mem>>) src(%dma_wait3A_20 : memref<102400xi32, #tpu.memory_space<hbm>>) dst(%arg5 : memref<102400xi32, #tpu.memory_space<vmem>>)
      tpu.yield
    }) : () -> ()
    "tpu.region"() ({
      %run_scoped3A = tpu.sem_alloc : memref<!tpu.dma_semaphore, #tpu.memory_space<semaphore_mem>>
      tpu.enqueue_dma source(%arg3 : memref<128xf32, #tpu.memory_space<hbm>>) target(%arg6 : memref<128xf32, #tpu.memory_space<vmem>>) target_semaphore(%run_scoped3A : memref<!tpu.dma_semaphore, #tpu.memory_space<semaphore_mem>>)
      tpu.wait_dma2 semaphore(%run_scoped3A : memref<!tpu.dma_semaphore, #tpu.memory_space<semaphore_mem>>) src(%arg3 : memref<128xf32, #tpu.memory_space<hbm>>) dst(%arg6 : memref<128xf32, #tpu.memory_space<vmem>>)
      tpu.yield
    }) : () -> ()
    %iota3A = tpu.iota {dimensions = array<i32: 0>} : vector<16xi32>
    %mul3A_3 = arith.constant 200 : i32
    %mul3A_4 = vector.broadcast %mul3A_3 : i32 to vector<16xi32>
    %mul3A_5 = arith.muli %iota3A, %mul3A_4 : vector<16xi32>
    %mul3A_6 = arith.constant 17 : i32
    %mul3A_7 = vector.broadcast %mul3A_6 : i32 to vector<16xi32>
    %mul3A_8 = arith.muli %iota3A, %mul3A_7 : vector<16xi32>
    %broadcast_in_dim3A = arith.constant 1 : i32
    %broadcast_in_dim3A_9 = vector.broadcast %broadcast_in_dim3A : i32 to vector<16xi32>
    %broadcast_in_dim3A_10 = arith.constant 0 : i32
    %broadcast_in_dim3A_11 = vector.broadcast %broadcast_in_dim3A_10 : i32 to vector<16xi32>
    %parallel_loop3A = arith.constant 0 : i32
    %parallel_loop3A_12 = arith.constant 32 : i32
    %parallel_loop3A_13 = arith.constant 1 : i32
    scf.for %parallel_loop3A_19 = %parallel_loop3A to %parallel_loop3A_12 step %parallel_loop3A_13  : i32 {
      %parallel_loop3A_20 = arith.constant 3200 : i32
      %parallel_loop3A_21 = arith.muli %parallel_loop3A_19, %parallel_loop3A_20 : i32
      %parallel_loop3A_22 = arith.constant 288 : i32
      %parallel_loop3A_23 = arith.muli %parallel_loop3A_19, %parallel_loop3A_22 : i32
      %parallel_loop3A_24 = arith.constant 0 : i32
      %parallel_loop3A_25 = arith.addi %parallel_loop3A_23, %parallel_loop3A_24 : i32
      %parallel_loop3A_26 = arith.index_cast %parallel_loop3A_25 : i32 to index
      %parallel_loop3A_27 = tpu.vector_load %arg7[%parallel_loop3A_26] {strides = array<i32>} : memref<9216xi32, #tpu.memory_space<vmem>>, vector<16xi32>,
      tpu.vector_store %arg7[%parallel_loop3A_26], %broadcast_in_dim3A_11 {strides = array<i32>} : memref<9216xi32, #tpu.memory_space<vmem>>, vector<16xi32>,
      %parallel_loop3A_28 = arith.constant 16 : i32
      %parallel_loop3A_29 = arith.addi %parallel_loop3A_23, %parallel_loop3A_28 : i32
      %parallel_loop3A_30 = arith.index_cast %parallel_loop3A_29 : i32 to index
      %parallel_loop3A_31 = tpu.vector_load %arg7[%parallel_loop3A_30] {strides = array<i32>} : memref<9216xi32, #tpu.memory_space<vmem>>, vector<16xi32>,
      tpu.vector_store %arg7[%parallel_loop3A_30], %broadcast_in_dim3A_11 {strides = array<i32>} : memref<9216xi32, #tpu.memory_space<vmem>>, vector<16xi32>,
      %parallel_loop3A_32 = arith.constant 32 : i32
      %parallel_loop3A_33 = arith.addi %parallel_loop3A_23, %parallel_loop3A_32 : i32
      %parallel_loop3A_34 = arith.index_cast %parallel_loop3A_33 : i32 to index
      %parallel_loop3A_35 = tpu.vector_load %arg7[%parallel_loop3A_34] {strides = array<i32>} : memref<9216xi32, #tpu.memory_space<vmem>>, vector<16xi32>,
      tpu.vector_store %arg7[%parallel_loop3A_34], %broadcast_in_dim3A_11 {strides = array<i32>} : memref<9216xi32, #tpu.memory_space<vmem>>, vector<16xi32>,
      %parallel_loop3A_36 = arith.constant 48 : i32
      %parallel_loop3A_37 = arith.addi %parallel_loop3A_23, %parallel_loop3A_36 : i32
      %parallel_loop3A_38 = arith.index_cast %parallel_loop3A_37 : i32 to index
      %parallel_loop3A_39 = tpu.vector_load %arg7[%parallel_loop3A_38] {strides = array<i32>} : memref<9216xi32, #tpu.memory_space<vmem>>, vector<16xi32>,
      tpu.vector_store %arg7[%parallel_loop3A_38], %broadcast_in_dim3A_11 {strides = array<i32>} : memref<9216xi32, #tpu.memory_space<vmem>>, vector<16xi32>,
      %parallel_loop3A_40 = arith.constant 64 : i32
      %parallel_loop3A_41 = arith.addi %parallel_loop3A_23, %parallel_loop3A_40 : i32
      %parallel_loop3A_42 = arith.index_cast %parallel_loop3A_41 : i32 to index
      %parallel_loop3A_43 = tpu.vector_load %arg7[%parallel_loop3A_42] {strides = array<i32>} : memref<9216xi32, #tpu.memory_space<vmem>>, vector<16xi32>,
      tpu.vector_store %arg7[%parallel_loop3A_42], %broadcast_in_dim3A_11 {strides = array<i32>} : memref<9216xi32, #tpu.memory_space<vmem>>, vector<16xi32>,
      %parallel_loop3A_44 = arith.constant 80 : i32
      %parallel_loop3A_45 = arith.addi %parallel_loop3A_23, %parallel_loop3A_44 : i32
      %parallel_loop3A_46 = arith.index_cast %parallel_loop3A_45 : i32 to index
      %parallel_loop3A_47 = tpu.vector_load %arg7[%parallel_loop3A_46] {strides = array<i32>} : memref<9216xi32, #tpu.memory_space<vmem>>, vector<16xi32>,
      tpu.vector_store %arg7[%parallel_loop3A_46], %broadcast_in_dim3A_11 {strides = array<i32>} : memref<9216xi32, #tpu.memory_space<vmem>>, vector<16xi32>,
      %parallel_loop3A_48 = arith.constant 96 : i32
      %parallel_loop3A_49 = arith.addi %parallel_loop3A_23, %parallel_loop3A_48 : i32
      %parallel_loop3A_50 = arith.index_cast %parallel_loop3A_49 : i32 to index
      %parallel_loop3A_51 = tpu.vector_load %arg7[%parallel_loop3A_50] {strides = array<i32>} : memref<9216xi32, #tpu.memory_space<vmem>>, vector<16xi32>,
      tpu.vector_store %arg7[%parallel_loop3A_50], %broadcast_in_dim3A_11 {strides = array<i32>} : memref<9216xi32, #tpu.memory_space<vmem>>, vector<16xi32>,
      %parallel_loop3A_52 = arith.constant 112 : i32
      %parallel_loop3A_53 = arith.addi %parallel_loop3A_23, %parallel_loop3A_52 : i32
      %parallel_loop3A_54 = arith.index_cast %parallel_loop3A_53 : i32 to index
      %parallel_loop3A_55 = tpu.vector_load %arg7[%parallel_loop3A_54] {strides = array<i32>} : memref<9216xi32, #tpu.memory_space<vmem>>, vector<16xi32>,
      tpu.vector_store %arg7[%parallel_loop3A_54], %broadcast_in_dim3A_11 {strides = array<i32>} : memref<9216xi32, #tpu.memory_space<vmem>>, vector<16xi32>,
      %parallel_loop3A_56 = arith.constant 128 : i32
      %parallel_loop3A_57 = arith.addi %parallel_loop3A_23, %parallel_loop3A_56 : i32
      %parallel_loop3A_58 = arith.index_cast %parallel_loop3A_57 : i32 to index
      %parallel_loop3A_59 = tpu.vector_load %arg7[%parallel_loop3A_58] {strides = array<i32>} : memref<9216xi32, #tpu.memory_space<vmem>>, vector<16xi32>,
      tpu.vector_store %arg7[%parallel_loop3A_58], %broadcast_in_dim3A_11 {strides = array<i32>} : memref<9216xi32, #tpu.memory_space<vmem>>, vector<16xi32>,
      %parallel_loop3A_60 = arith.constant 144 : i32
      %parallel_loop3A_61 = arith.addi %parallel_loop3A_23, %parallel_loop3A_60 : i32
      %parallel_loop3A_62 = arith.index_cast %parallel_loop3A_61 : i32 to index
      %parallel_loop3A_63 = tpu.vector_load %arg7[%parallel_loop3A_62] {strides = array<i32>} : memref<9216xi32, #tpu.memory_space<vmem>>, vector<16xi32>,
      tpu.vector_store %arg7[%parallel_loop3A_62], %broadcast_in_dim3A_11 {strides = array<i32>} : memref<9216xi32, #tpu.memory_space<vmem>>, vector<16xi32>,
      %parallel_loop3A_64 = arith.constant 160 : i32
      %parallel_loop3A_65 = arith.addi %parallel_loop3A_23, %parallel_loop3A_64 : i32
      %parallel_loop3A_66 = arith.index_cast %parallel_loop3A_65 : i32 to index
      %parallel_loop3A_67 = tpu.vector_load %arg7[%parallel_loop3A_66] {strides = array<i32>} : memref<9216xi32, #tpu.memory_space<vmem>>, vector<16xi32>,
      tpu.vector_store %arg7[%parallel_loop3A_66], %broadcast_in_dim3A_11 {strides = array<i32>} : memref<9216xi32, #tpu.memory_space<vmem>>, vector<16xi32>,
      %parallel_loop3A_68 = arith.constant 176 : i32
      %parallel_loop3A_69 = arith.addi %parallel_loop3A_23, %parallel_loop3A_68 : i32
      %parallel_loop3A_70 = arith.index_cast %parallel_loop3A_69 : i32 to index
      %parallel_loop3A_71 = tpu.vector_load %arg7[%parallel_loop3A_70] {strides = array<i32>} : memref<9216xi32, #tpu.memory_space<vmem>>, vector<16xi32>,
      tpu.vector_store %arg7[%parallel_loop3A_70], %broadcast_in_dim3A_11 {strides = array<i32>} : memref<9216xi32, #tpu.memory_space<vmem>>, vector<16xi32>,
      %parallel_loop3A_72 = arith.constant 192 : i32
      %parallel_loop3A_73 = arith.addi %parallel_loop3A_23, %parallel_loop3A_72 : i32
      %parallel_loop3A_74 = arith.index_cast %parallel_loop3A_73 : i32 to index
      %parallel_loop3A_75 = tpu.vector_load %arg7[%parallel_loop3A_74] {strides = array<i32>} : memref<9216xi32, #tpu.memory_space<vmem>>, vector<16xi32>,
      tpu.vector_store %arg7[%parallel_loop3A_74], %broadcast_in_dim3A_11 {strides = array<i32>} : memref<9216xi32, #tpu.memory_space<vmem>>, vector<16xi32>,
      %parallel_loop3A_76 = arith.constant 208 : i32
      %parallel_loop3A_77 = arith.addi %parallel_loop3A_23, %parallel_loop3A_76 : i32
      %parallel_loop3A_78 = arith.index_cast %parallel_loop3A_77 : i32 to index
      %parallel_loop3A_79 = tpu.vector_load %arg7[%parallel_loop3A_78] {strides = array<i32>} : memref<9216xi32, #tpu.memory_space<vmem>>, vector<16xi32>,
      tpu.vector_store %arg7[%parallel_loop3A_78], %broadcast_in_dim3A_11 {strides = array<i32>} : memref<9216xi32, #tpu.memory_space<vmem>>, vector<16xi32>,
      %parallel_loop3A_80 = arith.constant 224 : i32
      %parallel_loop3A_81 = arith.addi %parallel_loop3A_23, %parallel_loop3A_80 : i32
      %parallel_loop3A_82 = arith.index_cast %parallel_loop3A_81 : i32 to index
      %parallel_loop3A_83 = tpu.vector_load %arg7[%parallel_loop3A_82] {strides = array<i32>} : memref<9216xi32, #tpu.memory_space<vmem>>, vector<16xi32>,
      tpu.vector_store %arg7[%parallel_loop3A_82], %broadcast_in_dim3A_11 {strides = array<i32>} : memref<9216xi32, #tpu.memory_space<vmem>>, vector<16xi32>,
      %parallel_loop3A_84 = arith.constant 240 : i32
      %parallel_loop3A_85 = arith.addi %parallel_loop3A_23, %parallel_loop3A_84 : i32
      %parallel_loop3A_86 = arith.index_cast %parallel_loop3A_85 : i32 to index
      %parallel_loop3A_87 = tpu.vector_load %arg7[%parallel_loop3A_86] {strides = array<i32>} : memref<9216xi32, #tpu.memory_space<vmem>>, vector<16xi32>,
      tpu.vector_store %arg7[%parallel_loop3A_86], %broadcast_in_dim3A_11 {strides = array<i32>} : memref<9216xi32, #tpu.memory_space<vmem>>, vector<16xi32>,
      %parallel_loop3A_88 = arith.constant 256 : i32
      %parallel_loop3A_89 = arith.addi %parallel_loop3A_23, %parallel_loop3A_88 : i32
      %parallel_loop3A_90 = arith.index_cast %parallel_loop3A_89 : i32 to index
      %parallel_loop3A_91 = tpu.vector_load %arg7[%parallel_loop3A_90] {strides = array<i32>} : memref<9216xi32, #tpu.memory_space<vmem>>, vector<16xi32>,
      tpu.vector_store %arg7[%parallel_loop3A_90], %broadcast_in_dim3A_11 {strides = array<i32>} : memref<9216xi32, #tpu.memory_space<vmem>>, vector<16xi32>,
      %parallel_loop3A_92 = arith.constant 272 : i32
      %parallel_loop3A_93 = arith.addi %parallel_loop3A_23, %parallel_loop3A_92 : i32
      %parallel_loop3A_94 = arith.index_cast %parallel_loop3A_93 : i32 to index
      %parallel_loop3A_95 = tpu.vector_load %arg7[%parallel_loop3A_94] {strides = array<i32>} : memref<9216xi32, #tpu.memory_space<vmem>>, vector<16xi32>,
      tpu.vector_store %arg7[%parallel_loop3A_94], %broadcast_in_dim3A_11 {strides = array<i32>} : memref<9216xi32, #tpu.memory_space<vmem>>, vector<16xi32>,
      %parallel_loop3A_96 = vector.broadcast %parallel_loop3A_23 : i32 to vector<16xi32>
      %parallel_loop3A_97 = arith.addi %parallel_loop3A_96, %mul3A_8 : vector<16xi32>
      %parallel_loop3A_98 = vector.broadcast %parallel_loop3A_21 : i32 to vector<16xi32>
      %parallel_loop3A_99 = arith.addi %mul3A_5, %parallel_loop3A_98 : vector<16xi32>
      %parallel_loop3A_100 = arith.constant 0 : i32
      %parallel_loop3A_101 = arith.constant 200 : i32
      %parallel_loop3A_102 = arith.constant 20 : i32
      scf.for %parallel_loop3A_740 = %parallel_loop3A_100 to %parallel_loop3A_101 step %parallel_loop3A_102  : i32 {
        %parallel_loop3A_741 = arith.constant 0 : i32
        %parallel_loop3A_742 = arith.addi %parallel_loop3A_740, %parallel_loop3A_741 : i32
        %parallel_loop3A_743 = vector.broadcast %parallel_loop3A_742 : i32 to vector<16xi32>
        %parallel_loop3A_744 = arith.addi %parallel_loop3A_99, %parallel_loop3A_743 : vector<16xi32>
        %parallel_loop3A_745 = tpu.vector_load_idx %arg5[%parallel_loop3A_744] : memref<102400xi32, #tpu.memory_space<vmem>>[vector<16xi32>], vector<16xi32>,
        %parallel_loop3A_746 = arith.constant 1 : i32
        %parallel_loop3A_747 = arith.addi %parallel_loop3A_740, %parallel_loop3A_746 : i32
        %parallel_loop3A_748 = vector.broadcast %parallel_loop3A_747 : i32 to vector<16xi32>
        %parallel_loop3A_749 = arith.addi %parallel_loop3A_99, %parallel_loop3A_748 : vector<16xi32>
        %parallel_loop3A_750 = tpu.vector_load_idx %arg5[%parallel_loop3A_749] : memref<102400xi32, #tpu.memory_space<vmem>>[vector<16xi32>], vector<16xi32>,
        %parallel_loop3A_751 = arith.constant 2 : i32
        %parallel_loop3A_752 = arith.addi %parallel_loop3A_740, %parallel_loop3A_751 : i32
        %parallel_loop3A_753 = vector.broadcast %parallel_loop3A_752 : i32 to vector<16xi32>
        %parallel_loop3A_754 = arith.addi %parallel_loop3A_99, %parallel_loop3A_753 : vector<16xi32>
        %parallel_loop3A_755 = tpu.vector_load_idx %arg5[%parallel_loop3A_754] : memref<102400xi32, #tpu.memory_space<vmem>>[vector<16xi32>], vector<16xi32>,
        %parallel_loop3A_756 = arith.constant 3 : i32
        %parallel_loop3A_757 = arith.addi %parallel_loop3A_740, %parallel_loop3A_756 : i32
        %parallel_loop3A_758 = vector.broadcast %parallel_loop3A_757 : i32 to vector<16xi32>
        %parallel_loop3A_759 = arith.addi %parallel_loop3A_99, %parallel_loop3A_758 : vector<16xi32>
        %parallel_loop3A_760 = tpu.vector_load_idx %arg5[%parallel_loop3A_759] : memref<102400xi32, #tpu.memory_space<vmem>>[vector<16xi32>], vector<16xi32>,
        %parallel_loop3A_761 = arith.constant 4 : i32
        %parallel_loop3A_762 = arith.addi %parallel_loop3A_740, %parallel_loop3A_761 : i32
        %parallel_loop3A_763 = vector.broadcast %parallel_loop3A_762 : i32 to vector<16xi32>
        %parallel_loop3A_764 = arith.addi %parallel_loop3A_99, %parallel_loop3A_763 : vector<16xi32>
        %parallel_loop3A_765 = tpu.vector_load_idx %arg5[%parallel_loop3A_764] : memref<102400xi32, #tpu.memory_space<vmem>>[vector<16xi32>], vector<16xi32>,
        %parallel_loop3A_766 = arith.constant 5 : i32
        %parallel_loop3A_767 = arith.addi %parallel_loop3A_740, %parallel_loop3A_766 : i32
        %parallel_loop3A_768 = vector.broadcast %parallel_loop3A_767 : i32 to vector<16xi32>
        %parallel_loop3A_769 = arith.addi %parallel_loop3A_99, %parallel_loop3A_768 : vector<16xi32>
        %parallel_loop3A_770 = tpu.vector_load_idx %arg5[%parallel_loop3A_769] : memref<102400xi32, #tpu.memory_space<vmem>>[vector<16xi32>], vector<16xi32>,
        %parallel_loop3A_771 = arith.constant 6 : i32
        %parallel_loop3A_772 = arith.addi %parallel_loop3A_740, %parallel_loop3A_771 : i32
        %parallel_loop3A_773 = vector.broadcast %parallel_loop3A_772 : i32 to vector<16xi32>
        %parallel_loop3A_774 = arith.addi %parallel_loop3A_99, %parallel_loop3A_773 : vector<16xi32>
        %parallel_loop3A_775 = tpu.vector_load_idx %arg5[%parallel_loop3A_774] : memref<102400xi32, #tpu.memory_space<vmem>>[vector<16xi32>], vector<16xi32>,
        %parallel_loop3A_776 = arith.constant 7 : i32
        %parallel_loop3A_777 = arith.addi %parallel_loop3A_740, %parallel_loop3A_776 : i32
        %parallel_loop3A_778 = vector.broadcast %parallel_loop3A_777 : i32 to vector<16xi32>
        %parallel_loop3A_779 = arith.addi %parallel_loop3A_99, %parallel_loop3A_778 : vector<16xi32>
        %parallel_loop3A_780 = tpu.vector_load_idx %arg5[%parallel_loop3A_779] : memref<102400xi32, #tpu.memory_space<vmem>>[vector<16xi32>], vector<16xi32>,
        %parallel_loop3A_781 = arith.constant 8 : i32
        %parallel_loop3A_782 = arith.addi %parallel_loop3A_740, %parallel_loop3A_781 : i32
        %parallel_loop3A_783 = vector.broadcast %parallel_loop3A_782 : i32 to vector<16xi32>
        %parallel_loop3A_784 = arith.addi %parallel_loop3A_99, %parallel_loop3A_783 : vector<16xi32>
        %parallel_loop3A_785 = tpu.vector_load_idx %arg5[%parallel_loop3A_784] : memref<102400xi32, #tpu.memory_space<vmem>>[vector<16xi32>], vector<16xi32>,
        %parallel_loop3A_786 = arith.constant 9 : i32
        %parallel_loop3A_787 = arith.addi %parallel_loop3A_740, %parallel_loop3A_786 : i32
        %parallel_loop3A_788 = vector.broadcast %parallel_loop3A_787 : i32 to vector<16xi32>
        %parallel_loop3A_789 = arith.addi %parallel_loop3A_99, %parallel_loop3A_788 : vector<16xi32>
        %parallel_loop3A_790 = tpu.vector_load_idx %arg5[%parallel_loop3A_789] : memref<102400xi32, #tpu.memory_space<vmem>>[vector<16xi32>], vector<16xi32>,
        %parallel_loop3A_791 = arith.constant 10 : i32
        %parallel_loop3A_792 = arith.addi %parallel_loop3A_740, %parallel_loop3A_791 : i32
        %parallel_loop3A_793 = vector.broadcast %parallel_loop3A_792 : i32 to vector<16xi32>
        %parallel_loop3A_794 = arith.addi %parallel_loop3A_99, %parallel_loop3A_793 : vector<16xi32>
        %parallel_loop3A_795 = tpu.vector_load_idx %arg5[%parallel_loop3A_794] : memref<102400xi32, #tpu.memory_space<vmem>>[vector<16xi32>], vector<16xi32>,
        %parallel_loop3A_796 = arith.constant 11 : i32
        %parallel_loop3A_797 = arith.addi %parallel_loop3A_740, %parallel_loop3A_796 : i32
        %parallel_loop3A_798 = vector.broadcast %parallel_loop3A_797 : i32 to vector<16xi32>
        %parallel_loop3A_799 = arith.addi %parallel_loop3A_99, %parallel_loop3A_798 : vector<16xi32>
        %parallel_loop3A_800 = tpu.vector_load_idx %arg5[%parallel_loop3A_799] : memref<102400xi32, #tpu.memory_space<vmem>>[vector<16xi32>], vector<16xi32>,
        %parallel_loop3A_801 = arith.constant 12 : i32
        %parallel_loop3A_802 = arith.addi %parallel_loop3A_740, %parallel_loop3A_801 : i32
        %parallel_loop3A_803 = vector.broadcast %parallel_loop3A_802 : i32 to vector<16xi32>
        %parallel_loop3A_804 = arith.addi %parallel_loop3A_99, %parallel_loop3A_803 : vector<16xi32>
        %parallel_loop3A_805 = tpu.vector_load_idx %arg5[%parallel_loop3A_804] : memref<102400xi32, #tpu.memory_space<vmem>>[vector<16xi32>], vector<16xi32>,
        %parallel_loop3A_806 = arith.constant 13 : i32
        %parallel_loop3A_807 = arith.addi %parallel_loop3A_740, %parallel_loop3A_806 : i32
        %parallel_loop3A_808 = vector.broadcast %parallel_loop3A_807 : i32 to vector<16xi32>
        %parallel_loop3A_809 = arith.addi %parallel_loop3A_99, %parallel_loop3A_808 : vector<16xi32>
        %parallel_loop3A_810 = tpu.vector_load_idx %arg5[%parallel_loop3A_809] : memref<102400xi32, #tpu.memory_space<vmem>>[vector<16xi32>], vector<16xi32>,
        %parallel_loop3A_811 = arith.constant 14 : i32
        %parallel_loop3A_812 = arith.addi %parallel_loop3A_740, %parallel_loop3A_811 : i32
        %parallel_loop3A_813 = vector.broadcast %parallel_loop3A_812 : i32 to vector<16xi32>
        %parallel_loop3A_814 = arith.addi %parallel_loop3A_99, %parallel_loop3A_813 : vector<16xi32>
        %parallel_loop3A_815 = tpu.vector_load_idx %arg5[%parallel_loop3A_814] : memref<102400xi32, #tpu.memory_space<vmem>>[vector<16xi32>], vector<16xi32>,
        %parallel_loop3A_816 = arith.constant 15 : i32
        %parallel_loop3A_817 = arith.addi %parallel_loop3A_740, %parallel_loop3A_816 : i32
        %parallel_loop3A_818 = vector.broadcast %parallel_loop3A_817 : i32 to vector<16xi32>
        %parallel_loop3A_819 = arith.addi %parallel_loop3A_99, %parallel_loop3A_818 : vector<16xi32>
        %parallel_loop3A_820 = tpu.vector_load_idx %arg5[%parallel_loop3A_819] : memref<102400xi32, #tpu.memory_space<vmem>>[vector<16xi32>], vector<16xi32>,
        %parallel_loop3A_821 = arith.constant 16 : i32
        %parallel_loop3A_822 = arith.addi %parallel_loop3A_740, %parallel_loop3A_821 : i32
        %parallel_loop3A_823 = vector.broadcast %parallel_loop3A_822 : i32 to vector<16xi32>
        %parallel_loop3A_824 = arith.addi %parallel_loop3A_99, %parallel_loop3A_823 : vector<16xi32>
        %parallel_loop3A_825 = tpu.vector_load_idx %arg5[%parallel_loop3A_824] : memref<102400xi32, #tpu.memory_space<vmem>>[vector<16xi32>], vector<16xi32>,
        %parallel_loop3A_826 = arith.constant 17 : i32
        %parallel_loop3A_827 = arith.addi %parallel_loop3A_740, %parallel_loop3A_826 : i32
        %parallel_loop3A_828 = vector.broadcast %parallel_loop3A_827 : i32 to vector<16xi32>
        %parallel_loop3A_829 = arith.addi %parallel_loop3A_99, %parallel_loop3A_828 : vector<16xi32>
        %parallel_loop3A_830 = tpu.vector_load_idx %arg5[%parallel_loop3A_829] : memref<102400xi32, #tpu.memory_space<vmem>>[vector<16xi32>], vector<16xi32>,
        %parallel_loop3A_831 = arith.constant 18 : i32
        %parallel_loop3A_832 = arith.addi %parallel_loop3A_740, %parallel_loop3A_831 : i32
        %parallel_loop3A_833 = vector.broadcast %parallel_loop3A_832 : i32 to vector<16xi32>
        %parallel_loop3A_834 = arith.addi %parallel_loop3A_99, %parallel_loop3A_833 : vector<16xi32>
        %parallel_loop3A_835 = tpu.vector_load_idx %arg5[%parallel_loop3A_834] : memref<102400xi32, #tpu.memory_space<vmem>>[vector<16xi32>], vector<16xi32>,
        %parallel_loop3A_836 = arith.constant 19 : i32
        %parallel_loop3A_837 = arith.addi %parallel_loop3A_740, %parallel_loop3A_836 : i32
        %parallel_loop3A_838 = vector.broadcast %parallel_loop3A_837 : i32 to vector<16xi32>
        %parallel_loop3A_839 = arith.addi %parallel_loop3A_99, %parallel_loop3A_838 : vector<16xi32>
        %parallel_loop3A_840 = tpu.vector_load_idx %arg5[%parallel_loop3A_839] : memref<102400xi32, #tpu.memory_space<vmem>>[vector<16xi32>], vector<16xi32>,
        %parallel_loop3A_841 = arith.addi %parallel_loop3A_745, %parallel_loop3A_97 : vector<16xi32>
        tpu.vector_store_idx %arg7[%parallel_loop3A_841], %broadcast_in_dim3A_9 {add = true} : memref<9216xi32, #tpu.memory_space<vmem>>[vector<16xi32>], vector<16xi32>,
        %parallel_loop3A_842 = arith.addi %parallel_loop3A_750, %parallel_loop3A_97 : vector<16xi32>
        tpu.vector_store_idx %arg7[%parallel_loop3A_842], %broadcast_in_dim3A_9 {add = true} : memref<9216xi32, #tpu.memory_space<vmem>>[vector<16xi32>], vector<16xi32>,
        %parallel_loop3A_843 = arith.addi %parallel_loop3A_755, %parallel_loop3A_97 : vector<16xi32>
        tpu.vector_store_idx %arg7[%parallel_loop3A_843], %broadcast_in_dim3A_9 {add = true} : memref<9216xi32, #tpu.memory_space<vmem>>[vector<16xi32>], vector<16xi32>,
        %parallel_loop3A_844 = arith.addi %parallel_loop3A_760, %parallel_loop3A_97 : vector<16xi32>
        tpu.vector_store_idx %arg7[%parallel_loop3A_844], %broadcast_in_dim3A_9 {add = true} : memref<9216xi32, #tpu.memory_space<vmem>>[vector<16xi32>], vector<16xi32>,
        %parallel_loop3A_845 = arith.addi %parallel_loop3A_765, %parallel_loop3A_97 : vector<16xi32>
        tpu.vector_store_idx %arg7[%parallel_loop3A_845], %broadcast_in_dim3A_9 {add = true} : memref<9216xi32, #tpu.memory_space<vmem>>[vector<16xi32>], vector<16xi32>,
        %parallel_loop3A_846 = arith.addi %parallel_loop3A_770, %parallel_loop3A_97 : vector<16xi32>
        tpu.vector_store_idx %arg7[%parallel_loop3A_846], %broadcast_in_dim3A_9 {add = true} : memref<9216xi32, #tpu.memory_space<vmem>>[vector<16xi32>], vector<16xi32>,
        %parallel_loop3A_847 = arith.addi %parallel_loop3A_775, %parallel_loop3A_97 : vector<16xi32>
        tpu.vector_store_idx %arg7[%parallel_loop3A_847], %broadcast_in_dim3A_9 {add = true} : memref<9216xi32, #tpu.memory_space<vmem>>[vector<16xi32>], vector<16xi32>,
        %parallel_loop3A_848 = arith.addi %parallel_loop3A_780, %parallel_loop3A_97 : vector<16xi32>
        tpu.vector_store_idx %arg7[%parallel_loop3A_848], %broadcast_in_dim3A_9 {add = true} : memref<9216xi32, #tpu.memory_space<vmem>>[vector<16xi32>], vector<16xi32>,
        %parallel_loop3A_849 = arith.addi %parallel_loop3A_785, %parallel_loop3A_97 : vector<16xi32>
        tpu.vector_store_idx %arg7[%parallel_loop3A_849], %broadcast_in_dim3A_9 {add = true} : memref<9216xi32, #tpu.memory_space<vmem>>[vector<16xi32>], vector<16xi32>,
        %parallel_loop3A_850 = arith.addi %parallel_loop3A_790, %parallel_loop3A_97 : vector<16xi32>
        tpu.vector_store_idx %arg7[%parallel_loop3A_850], %broadcast_in_dim3A_9 {add = true} : memref<9216xi32, #tpu.memory_space<vmem>>[vector<16xi32>], vector<16xi32>,
        %parallel_loop3A_851 = arith.addi %parallel_loop3A_795, %parallel_loop3A_97 : vector<16xi32>
        tpu.vector_store_idx %arg7[%parallel_loop3A_851], %broadcast_in_dim3A_9 {add = true} : memref<9216xi32, #tpu.memory_space<vmem>>[vector<16xi32>], vector<16xi32>,
        %parallel_loop3A_852 = arith.addi %parallel_loop3A_800, %parallel_loop3A_97 : vector<16xi32>
        tpu.vector_store_idx %arg7[%parallel_loop3A_852], %broadcast_in_dim3A_9 {add = true} : memref<9216xi32, #tpu.memory_space<vmem>>[vector<16xi32>], vector<16xi32>,
        %parallel_loop3A_853 = arith.addi %parallel_loop3A_805, %parallel_loop3A_97 : vector<16xi32>
        tpu.vector_store_idx %arg7[%parallel_loop3A_853], %broadcast_in_dim3A_9 {add = true} : memref<9216xi32, #tpu.memory_space<vmem>>[vector<16xi32>], vector<16xi32>,
        %parallel_loop3A_854 = arith.addi %parallel_loop3A_810, %parallel_loop3A_97 : vector<16xi32>
        tpu.vector_store_idx %arg7[%parallel_loop3A_854], %broadcast_in_dim3A_9 {add = true} : memref<9216xi32, #tpu.memory_space<vmem>>[vector<16xi32>], vector<16xi32>,
        %parallel_loop3A_855 = arith.addi %parallel_loop3A_815, %parallel_loop3A_97 : vector<16xi32>
        tpu.vector_store_idx %arg7[%parallel_loop3A_855], %broadcast_in_dim3A_9 {add = true} : memref<9216xi32, #tpu.memory_space<vmem>>[vector<16xi32>], vector<16xi32>,
        %parallel_loop3A_856 = arith.addi %parallel_loop3A_820, %parallel_loop3A_97 : vector<16xi32>
        tpu.vector_store_idx %arg7[%parallel_loop3A_856], %broadcast_in_dim3A_9 {add = true} : memref<9216xi32, #tpu.memory_space<vmem>>[vector<16xi32>], vector<16xi32>,
        %parallel_loop3A_857 = arith.addi %parallel_loop3A_825, %parallel_loop3A_97 : vector<16xi32>
        tpu.vector_store_idx %arg7[%parallel_loop3A_857], %broadcast_in_dim3A_9 {add = true} : memref<9216xi32, #tpu.memory_space<vmem>>[vector<16xi32>], vector<16xi32>,
        %parallel_loop3A_858 = arith.addi %parallel_loop3A_830, %parallel_loop3A_97 : vector<16xi32>
        tpu.vector_store_idx %arg7[%parallel_loop3A_858], %broadcast_in_dim3A_9 {add = true} : memref<9216xi32, #tpu.memory_space<vmem>>[vector<16xi32>], vector<16xi32>,
        %parallel_loop3A_859 = arith.addi %parallel_loop3A_835, %parallel_loop3A_97 : vector<16xi32>
        tpu.vector_store_idx %arg7[%parallel_loop3A_859], %broadcast_in_dim3A_9 {add = true} : memref<9216xi32, #tpu.memory_space<vmem>>[vector<16xi32>], vector<16xi32>,
        %parallel_loop3A_860 = arith.addi %parallel_loop3A_840, %parallel_loop3A_97 : vector<16xi32>
        tpu.vector_store_idx %arg7[%parallel_loop3A_860], %broadcast_in_dim3A_9 {add = true} : memref<9216xi32, #tpu.memory_space<vmem>>[vector<16xi32>], vector<16xi32>,
      } {sc.loop_unroll_factor = 1 : i64, sc.parallel_access}
      %parallel_loop3A_103 = arith.constant 0.000000e+00 : f32
      %parallel_loop3A_104 = vector.broadcast %parallel_loop3A_103 : f32 to vector<16xf32>
      %parallel_loop3A_105 = arith.constant 0.000000e+00 : f32
      %parallel_loop3A_106 = vector.broadcast %parallel_loop3A_105 : f32 to vector<16xf32>
      %parallel_loop3A_107 = arith.constant 0.000000e+00 : f32
      %parallel_loop3A_108 = vector.broadcast %parallel_loop3A_107 : f32 to vector<16xf32>
      %parallel_loop3A_109 = arith.constant 0.000000e+00 : f32
      %parallel_loop3A_110 = vector.broadcast %parallel_loop3A_109 : f32 to vector<16xf32>
      %parallel_loop3A_111 = arith.constant 0.000000e+00 : f32
      %parallel_loop3A_112 = vector.broadcast %parallel_loop3A_111 : f32 to vector<16xf32>
      %parallel_loop3A_113 = arith.constant 0.000000e+00 : f32
      %parallel_loop3A_114 = vector.broadcast %parallel_loop3A_113 : f32 to vector<16xf32>
      %parallel_loop3A_115 = arith.constant 0.000000e+00 : f32
      %parallel_loop3A_116 = vector.broadcast %parallel_loop3A_115 : f32 to vector<16xf32>
      %parallel_loop3A_117 = arith.constant 0.000000e+00 : f32
      %parallel_loop3A_118 = vector.broadcast %parallel_loop3A_117 : f32 to vector<16xf32>
      %parallel_loop3A_119 = arith.constant 0.000000e+00 : f32
      %parallel_loop3A_120 = vector.broadcast %parallel_loop3A_119 : f32 to vector<16xf32>
      %parallel_loop3A_121 = arith.constant 0.000000e+00 : f32
      %parallel_loop3A_122 = vector.broadcast %parallel_loop3A_121 : f32 to vector<16xf32>
      %parallel_loop3A_123 = arith.constant 0 : i32
      %parallel_loop3A_124 = vector.broadcast %parallel_loop3A_123 : i32 to vector<16xi32>
      %parallel_loop3A_125 = arith.addi %parallel_loop3A_97, %parallel_loop3A_124 : vector<16xi32>
      %parallel_loop3A_126 = tpu.vector_load_idx %arg7[%parallel_loop3A_125] : memref<9216xi32, #tpu.memory_space<vmem>>[vector<16xi32>], vector<16xi32>,
      %parallel_loop3A_127 = arith.sitofp %parallel_loop3A_126 : vector<16xi32> to vector<16xf32>
      %parallel_loop3A_128 = arith.constant 5.000000e-03 : f32
      %parallel_loop3A_129 = vector.broadcast %parallel_loop3A_128 : f32 to vector<16xf32>
      %parallel_loop3A_130 = arith.mulf %parallel_loop3A_127, %parallel_loop3A_129 : vector<16xf32>
      %parallel_loop3A_131 = arith.constant 8 : i32
      %parallel_loop3A_132 = vector.broadcast %parallel_loop3A_131 : i32 to vector<16xi32>
      %parallel_loop3A_133 = tpu.vector_load_idx %arg6[%parallel_loop3A_132] : memref<128xf32, #tpu.memory_space<vmem>>[vector<16xi32>], vector<16xf32>,
      %parallel_loop3A_134 = arith.mulf %parallel_loop3A_130, %parallel_loop3A_133 : vector<16xf32>
      %parallel_loop3A_135 = arith.addf %parallel_loop3A_104, %parallel_loop3A_134 : vector<16xf32>
      %parallel_loop3A_136 = arith.constant 9 : i32
      %parallel_loop3A_137 = vector.broadcast %parallel_loop3A_136 : i32 to vector<16xi32>
      %parallel_loop3A_138 = tpu.vector_load_idx %arg6[%parallel_loop3A_137] : memref<128xf32, #tpu.memory_space<vmem>>[vector<16xi32>], vector<16xf32>,
      %parallel_loop3A_139 = arith.mulf %parallel_loop3A_130, %parallel_loop3A_138 : vector<16xf32>
      %parallel_loop3A_140 = arith.addf %parallel_loop3A_106, %parallel_loop3A_139 : vector<16xf32>
      %parallel_loop3A_141 = arith.constant 10 : i32
      %parallel_loop3A_142 = vector.broadcast %parallel_loop3A_141 : i32 to vector<16xi32>
      %parallel_loop3A_143 = tpu.vector_load_idx %arg6[%parallel_loop3A_142] : memref<128xf32, #tpu.memory_space<vmem>>[vector<16xi32>], vector<16xf32>,
      %parallel_loop3A_144 = arith.mulf %parallel_loop3A_130, %parallel_loop3A_143 : vector<16xf32>
      %parallel_loop3A_145 = arith.addf %parallel_loop3A_108, %parallel_loop3A_144 : vector<16xf32>
      %parallel_loop3A_146 = arith.constant 11 : i32
      %parallel_loop3A_147 = vector.broadcast %parallel_loop3A_146 : i32 to vector<16xi32>
      %parallel_loop3A_148 = tpu.vector_load_idx %arg6[%parallel_loop3A_147] : memref<128xf32, #tpu.memory_space<vmem>>[vector<16xi32>], vector<16xf32>,
      %parallel_loop3A_149 = arith.mulf %parallel_loop3A_130, %parallel_loop3A_148 : vector<16xf32>
      %parallel_loop3A_150 = arith.addf %parallel_loop3A_110, %parallel_loop3A_149 : vector<16xf32>
      %parallel_loop3A_151 = arith.constant 12 : i32
      %parallel_loop3A_152 = vector.broadcast %parallel_loop3A_151 : i32 to vector<16xi32>
      %parallel_loop3A_153 = tpu.vector_load_idx %arg6[%parallel_loop3A_152] : memref<128xf32, #tpu.memory_space<vmem>>[vector<16xi32>], vector<16xf32>,
      %parallel_loop3A_154 = arith.mulf %parallel_loop3A_130, %parallel_loop3A_153 : vector<16xf32>
      %parallel_loop3A_155 = arith.addf %parallel_loop3A_112, %parallel_loop3A_154 : vector<16xf32>
      %parallel_loop3A_156 = arith.constant 13 : i32
      %parallel_loop3A_157 = vector.broadcast %parallel_loop3A_156 : i32 to vector<16xi32>
      %parallel_loop3A_158 = tpu.vector_load_idx %arg6[%parallel_loop3A_157] : memref<128xf32, #tpu.memory_space<vmem>>[vector<16xi32>], vector<16xf32>,
      %parallel_loop3A_159 = arith.mulf %parallel_loop3A_130, %parallel_loop3A_158 : vector<16xf32>
      %parallel_loop3A_160 = arith.addf %parallel_loop3A_114, %parallel_loop3A_159 : vector<16xf32>
      %parallel_loop3A_161 = arith.constant 14 : i32
      %parallel_loop3A_162 = vector.broadcast %parallel_loop3A_161 : i32 to vector<16xi32>
      %parallel_loop3A_163 = tpu.vector_load_idx %arg6[%parallel_loop3A_162] : memref<128xf32, #tpu.memory_space<vmem>>[vector<16xi32>], vector<16xf32>,
      %parallel_loop3A_164 = arith.mulf %parallel_loop3A_130, %parallel_loop3A_163 : vector<16xf32>
      %parallel_loop3A_165 = arith.addf %parallel_loop3A_116, %parallel_loop3A_164 : vector<16xf32>
      %parallel_loop3A_166 = arith.constant 15 : i32
      %parallel_loop3A_167 = vector.broadcast %parallel_loop3A_166 : i32 to vector<16xi32>
      %parallel_loop3A_168 = tpu.vector_load_idx %arg6[%parallel_loop3A_167] : memref<128xf32, #tpu.memory_space<vmem>>[vector<16xi32>], vector<16xf32>,
      %parallel_loop3A_169 = arith.mulf %parallel_loop3A_130, %parallel_loop3A_168 : vector<16xf32>
      %parallel_loop3A_170 = arith.addf %parallel_loop3A_118, %parallel_loop3A_169 : vector<16xf32>
      %parallel_loop3A_171 = arith.constant 16 : i32
      %parallel_loop3A_172 = vector.broadcast %parallel_loop3A_171 : i32 to vector<16xi32>
      %parallel_loop3A_173 = tpu.vector_load_idx %arg6[%parallel_loop3A_172] : memref<128xf32, #tpu.memory_space<vmem>>[vector<16xi32>], vector<16xf32>,
      %parallel_loop3A_174 = arith.mulf %parallel_loop3A_130, %parallel_loop3A_173 : vector<16xf32>
      %parallel_loop3A_175 = arith.addf %parallel_loop3A_120, %parallel_loop3A_174 : vector<16xf32>
      %parallel_loop3A_176 = arith.constant 17 : i32
      %parallel_loop3A_177 = vector.broadcast %parallel_loop3A_176 : i32 to vector<16xi32>
      %parallel_loop3A_178 = tpu.vector_load_idx %arg6[%parallel_loop3A_177] : memref<128xf32, #tpu.memory_space<vmem>>[vector<16xi32>], vector<16xf32>,
      %parallel_loop3A_179 = arith.mulf %parallel_loop3A_130, %parallel_loop3A_178 : vector<16xf32>
      %parallel_loop3A_180 = arith.addf %parallel_loop3A_122, %parallel_loop3A_179 : vector<16xf32>
      %parallel_loop3A_181 = arith.constant 1 : i32
      %parallel_loop3A_182 = vector.broadcast %parallel_loop3A_181 : i32 to vector<16xi32>
      %parallel_loop3A_183 = arith.addi %parallel_loop3A_97, %parallel_loop3A_182 : vector<16xi32>
      %parallel_loop3A_184 = tpu.vector_load_idx %arg7[%parallel_loop3A_183] : memref<9216xi32, #tpu.memory_space<vmem>>[vector<16xi32>], vector<16xi32>,
      %parallel_loop3A_185 = arith.sitofp %parallel_loop3A_184 : vector<16xi32> to vector<16xf32>
      %parallel_loop3A_186 = arith.constant 5.000000e-03 : f32
      %parallel_loop3A_187 = vector.broadcast %parallel_loop3A_186 : f32 to vector<16xf32>
      %parallel_loop3A_188 = arith.mulf %parallel_loop3A_185, %parallel_loop3A_187 : vector<16xf32>
      %parallel_loop3A_189 = arith.constant 18 : i32
      %parallel_loop3A_190 = vector.broadcast %parallel_loop3A_189 : i32 to vector<16xi32>
      %parallel_loop3A_191 = tpu.vector_load_idx %arg6[%parallel_loop3A_190] : memref<128xf32, #tpu.memory_space<vmem>>[vector<16xi32>], vector<16xf32>,
      %parallel_loop3A_192 = arith.mulf %parallel_loop3A_188, %parallel_loop3A_191 : vector<16xf32>
      %parallel_loop3A_193 = arith.addf %parallel_loop3A_135, %parallel_loop3A_192 : vector<16xf32>
      %parallel_loop3A_194 = arith.constant 19 : i32
      %parallel_loop3A_195 = vector.broadcast %parallel_loop3A_194 : i32 to vector<16xi32>
      %parallel_loop3A_196 = tpu.vector_load_idx %arg6[%parallel_loop3A_195] : memref<128xf32, #tpu.memory_space<vmem>>[vector<16xi32>], vector<16xf32>,
      %parallel_loop3A_197 = arith.mulf %parallel_loop3A_188, %parallel_loop3A_196 : vector<16xf32>
      %parallel_loop3A_198 = arith.addf %parallel_loop3A_140, %parallel_loop3A_197 : vector<16xf32>
      %parallel_loop3A_199 = arith.constant 20 : i32
      %parallel_loop3A_200 = vector.broadcast %parallel_loop3A_199 : i32 to vector<16xi32>
      %parallel_loop3A_201 = tpu.vector_load_idx %arg6[%parallel_loop3A_200] : memref<128xf32, #tpu.memory_space<vmem>>[vector<16xi32>], vector<16xf32>,
      %parallel_loop3A_202 = arith.mulf %parallel_loop3A_188, %parallel_loop3A_201 : vector<16xf32>
      %parallel_loop3A_203 = arith.addf %parallel_loop3A_145, %parallel_loop3A_202 : vector<16xf32>
      %parallel_loop3A_204 = arith.constant 21 : i32
      %parallel_loop3A_205 = vector.broadcast %parallel_loop3A_204 : i32 to vector<16xi32>
      %parallel_loop3A_206 = tpu.vector_load_idx %arg6[%parallel_loop3A_205] : memref<128xf32, #tpu.memory_space<vmem>>[vector<16xi32>], vector<16xf32>,
      %parallel_loop3A_207 = arith.mulf %parallel_loop3A_188, %parallel_loop3A_206 : vector<16xf32>
      %parallel_loop3A_208 = arith.addf %parallel_loop3A_150, %parallel_loop3A_207 : vector<16xf32>
      %parallel_loop3A_209 = arith.constant 22 : i32
      %parallel_loop3A_210 = vector.broadcast %parallel_loop3A_209 : i32 to vector<16xi32>
      %parallel_loop3A_211 = tpu.vector_load_idx %arg6[%parallel_loop3A_210] : memref<128xf32, #tpu.memory_space<vmem>>[vector<16xi32>], vector<16xf32>,
      %parallel_loop3A_212 = arith.mulf %parallel_loop3A_188, %parallel_loop3A_211 : vector<16xf32>
      %parallel_loop3A_213 = arith.addf %parallel_loop3A_155, %parallel_loop3A_212 : vector<16xf32>
      %parallel_loop3A_214 = arith.constant 23 : i32
      %parallel_loop3A_215 = vector.broadcast %parallel_loop3A_214 : i32 to vector<16xi32>
      %parallel_loop3A_216 = tpu.vector_load_idx %arg6[%parallel_loop3A_215] : memref<128xf32, #tpu.memory_space<vmem>>[vector<16xi32>], vector<16xf32>,
      %parallel_loop3A_217 = arith.mulf %parallel_loop3A_188, %parallel_loop3A_216 : vector<16xf32>
      %parallel_loop3A_218 = arith.addf %parallel_loop3A_160, %parallel_loop3A_217 : vector<16xf32>
      %parallel_loop3A_219 = arith.constant 24 : i32
      %parallel_loop3A_220 = vector.broadcast %parallel_loop3A_219 : i32 to vector<16xi32>
      %parallel_loop3A_221 = tpu.vector_load_idx %arg6[%parallel_loop3A_220] : memref<128xf32, #tpu.memory_space<vmem>>[vector<16xi32>], vector<16xf32>,
      %parallel_loop3A_222 = arith.mulf %parallel_loop3A_188, %parallel_loop3A_221 : vector<16xf32>
      %parallel_loop3A_223 = arith.addf %parallel_loop3A_165, %parallel_loop3A_222 : vector<16xf32>
      %parallel_loop3A_224 = arith.constant 25 : i32
      %parallel_loop3A_225 = vector.broadcast %parallel_loop3A_224 : i32 to vector<16xi32>
      %parallel_loop3A_226 = tpu.vector_load_idx %arg6[%parallel_loop3A_225] : memref<128xf32, #tpu.memory_space<vmem>>[vector<16xi32>], vector<16xf32>,
      %parallel_loop3A_227 = arith.mulf %parallel_loop3A_188, %parallel_loop3A_226 : vector<16xf32>
      %parallel_loop3A_228 = arith.addf %parallel_loop3A_170, %parallel_loop3A_227 : vector<16xf32>
      %parallel_loop3A_229 = arith.constant 26 : i32
      %parallel_loop3A_230 = vector.broadcast %parallel_loop3A_229 : i32 to vector<16xi32>
      %parallel_loop3A_231 = tpu.vector_load_idx %arg6[%parallel_loop3A_230] : memref<128xf32, #tpu.memory_space<vmem>>[vector<16xi32>], vector<16xf32>,
      %parallel_loop3A_232 = arith.mulf %parallel_loop3A_188, %parallel_loop3A_231 : vector<16xf32>
      %parallel_loop3A_233 = arith.addf %parallel_loop3A_175, %parallel_loop3A_232 : vector<16xf32>
      %parallel_loop3A_234 = arith.constant 27 : i32
      %parallel_loop3A_235 = vector.broadcast %parallel_loop3A_234 : i32 to vector<16xi32>
      %parallel_loop3A_236 = tpu.vector_load_idx %arg6[%parallel_loop3A_235] : memref<128xf32, #tpu.memory_space<vmem>>[vector<16xi32>], vector<16xf32>,
      %parallel_loop3A_237 = arith.mulf %parallel_loop3A_188, %parallel_loop3A_236 : vector<16xf32>
      %parallel_loop3A_238 = arith.addf %parallel_loop3A_180, %parallel_loop3A_237 : vector<16xf32>
      %parallel_loop3A_239 = arith.constant 2 : i32
      %parallel_loop3A_240 = vector.broadcast %parallel_loop3A_239 : i32 to vector<16xi32>
      %parallel_loop3A_241 = arith.addi %parallel_loop3A_97, %parallel_loop3A_240 : vector<16xi32>
      %parallel_loop3A_242 = tpu.vector_load_idx %arg7[%parallel_loop3A_241] : memref<9216xi32, #tpu.memory_space<vmem>>[vector<16xi32>], vector<16xi32>,
      %parallel_loop3A_243 = arith.sitofp %parallel_loop3A_242 : vector<16xi32> to vector<16xf32>
      %parallel_loop3A_244 = arith.constant 5.000000e-03 : f32
      %parallel_loop3A_245 = vector.broadcast %parallel_loop3A_244 : f32 to vector<16xf32>
      %parallel_loop3A_246 = arith.mulf %parallel_loop3A_243, %parallel_loop3A_245 : vector<16xf32>
      %parallel_loop3A_247 = arith.constant 28 : i32
      %parallel_loop3A_248 = vector.broadcast %parallel_loop3A_247 : i32 to vector<16xi32>
      %parallel_loop3A_249 = tpu.vector_load_idx %arg6[%parallel_loop3A_248] : memref<128xf32, #tpu.memory_space<vmem>>[vector<16xi32>], vector<16xf32>,
      %parallel_loop3A_250 = arith.mulf %parallel_loop3A_246, %parallel_loop3A_249 : vector<16xf32>
      %parallel_loop3A_251 = arith.addf %parallel_loop3A_193, %parallel_loop3A_250 : vector<16xf32>
      %parallel_loop3A_252 = arith.constant 29 : i32
      %parallel_loop3A_253 = vector.broadcast %parallel_loop3A_252 : i32 to vector<16xi32>
      %parallel_loop3A_254 = tpu.vector_load_idx %arg6[%parallel_loop3A_253] : memref<128xf32, #tpu.memory_space<vmem>>[vector<16xi32>], vector<16xf32>,
      %parallel_loop3A_255 = arith.mulf %parallel_loop3A_246, %parallel_loop3A_254 : vector<16xf32>
      %parallel_loop3A_256 = arith.addf %parallel_loop3A_198, %parallel_loop3A_255 : vector<16xf32>
      %parallel_loop3A_257 = arith.constant 30 : i32
      %parallel_loop3A_258 = vector.broadcast %parallel_loop3A_257 : i32 to vector<16xi32>
      %parallel_loop3A_259 = tpu.vector_load_idx %arg6[%parallel_loop3A_258] : memref<128xf32, #tpu.memory_space<vmem>>[vector<16xi32>], vector<16xf32>,
      %parallel_loop3A_260 = arith.mulf %parallel_loop3A_246, %parallel_loop3A_259 : vector<16xf32>
      %parallel_loop3A_261 = arith.addf %parallel_loop3A_203, %parallel_loop3A_260 : vector<16xf32>
      %parallel_loop3A_262 = arith.constant 31 : i32
      %parallel_loop3A_263 = vector.broadcast %parallel_loop3A_262 : i32 to vector<16xi32>
      %parallel_loop3A_264 = tpu.vector_load_idx %arg6[%parallel_loop3A_263] : memref<128xf32, #tpu.memory_space<vmem>>[vector<16xi32>], vector<16xf32>,
      %parallel_loop3A_265 = arith.mulf %parallel_loop3A_246, %parallel_loop3A_264 : vector<16xf32>
      %parallel_loop3A_266 = arith.addf %parallel_loop3A_208, %parallel_loop3A_265 : vector<16xf32>
      %parallel_loop3A_267 = arith.constant 32 : i32
      %parallel_loop3A_268 = vector.broadcast %parallel_loop3A_267 : i32 to vector<16xi32>
      %parallel_loop3A_269 = tpu.vector_load_idx %arg6[%parallel_loop3A_268] : memref<128xf32, #tpu.memory_space<vmem>>[vector<16xi32>], vector<16xf32>,
      %parallel_loop3A_270 = arith.mulf %parallel_loop3A_246, %parallel_loop3A_269 : vector<16xf32>
      %parallel_loop3A_271 = arith.addf %parallel_loop3A_213, %parallel_loop3A_270 : vector<16xf32>
      %parallel_loop3A_272 = arith.constant 33 : i32
      %parallel_loop3A_273 = vector.broadcast %parallel_loop3A_272 : i32 to vector<16xi32>
      %parallel_loop3A_274 = tpu.vector_load_idx %arg6[%parallel_loop3A_273] : memref<128xf32, #tpu.memory_space<vmem>>[vector<16xi32>], vector<16xf32>,
      %parallel_loop3A_275 = arith.mulf %parallel_loop3A_246, %parallel_loop3A_274 : vector<16xf32>
      %parallel_loop3A_276 = arith.addf %parallel_loop3A_218, %parallel_loop3A_275 : vector<16xf32>
      %parallel_loop3A_277 = arith.constant 34 : i32
      %parallel_loop3A_278 = vector.broadcast %parallel_loop3A_277 : i32 to vector<16xi32>
      %parallel_loop3A_279 = tpu.vector_load_idx %arg6[%parallel_loop3A_278] : memref<128xf32, #tpu.memory_space<vmem>>[vector<16xi32>], vector<16xf32>,
      %parallel_loop3A_280 = arith.mulf %parallel_loop3A_246, %parallel_loop3A_279 : vector<16xf32>
      %parallel_loop3A_281 = arith.addf %parallel_loop3A_223, %parallel_loop3A_280 : vector<16xf32>
      %parallel_loop3A_282 = arith.constant 35 : i32
      %parallel_loop3A_283 = vector.broadcast %parallel_loop3A_282 : i32 to vector<16xi32>
      %parallel_loop3A_284 = tpu.vector_load_idx %arg6[%parallel_loop3A_283] : memref<128xf32, #tpu.memory_space<vmem>>[vector<16xi32>], vector<16xf32>,
      %parallel_loop3A_285 = arith.mulf %parallel_loop3A_246, %parallel_loop3A_284 : vector<16xf32>
      %parallel_loop3A_286 = arith.addf %parallel_loop3A_228, %parallel_loop3A_285 : vector<16xf32>
      %parallel_loop3A_287 = arith.constant 36 : i32
      %parallel_loop3A_288 = vector.broadcast %parallel_loop3A_287 : i32 to vector<16xi32>
      %parallel_loop3A_289 = tpu.vector_load_idx %arg6[%parallel_loop3A_288] : memref<128xf32, #tpu.memory_space<vmem>>[vector<16xi32>], vector<16xf32>,
      %parallel_loop3A_290 = arith.mulf %parallel_loop3A_246, %parallel_loop3A_289 : vector<16xf32>
      %parallel_loop3A_291 = arith.addf %parallel_loop3A_233, %parallel_loop3A_290 : vector<16xf32>
      %parallel_loop3A_292 = arith.constant 37 : i32
      %parallel_loop3A_293 = vector.broadcast %parallel_loop3A_292 : i32 to vector<16xi32>
      %parallel_loop3A_294 = tpu.vector_load_idx %arg6[%parallel_loop3A_293] : memref<128xf32, #tpu.memory_space<vmem>>[vector<16xi32>], vector<16xf32>,
      %parallel_loop3A_295 = arith.mulf %parallel_loop3A_246, %parallel_loop3A_294 : vector<16xf32>
      %parallel_loop3A_296 = arith.addf %parallel_loop3A_238, %parallel_loop3A_295 : vector<16xf32>
      %parallel_loop3A_297 = arith.constant 3 : i32
      %parallel_loop3A_298 = vector.broadcast %parallel_loop3A_297 : i32 to vector<16xi32>
      %parallel_loop3A_299 = arith.addi %parallel_loop3A_97, %parallel_loop3A_298 : vector<16xi32>
      %parallel_loop3A_300 = tpu.vector_load_idx %arg7[%parallel_loop3A_299] : memref<9216xi32, #tpu.memory_space<vmem>>[vector<16xi32>], vector<16xi32>,
      %parallel_loop3A_301 = arith.sitofp %parallel_loop3A_300 : vector<16xi32> to vector<16xf32>
      %parallel_loop3A_302 = arith.constant 5.000000e-03 : f32
      %parallel_loop3A_303 = vector.broadcast %parallel_loop3A_302 : f32 to vector<16xf32>
      %parallel_loop3A_304 = arith.mulf %parallel_loop3A_301, %parallel_loop3A_303 : vector<16xf32>
      %parallel_loop3A_305 = arith.constant 38 : i32
      %parallel_loop3A_306 = vector.broadcast %parallel_loop3A_305 : i32 to vector<16xi32>
      %parallel_loop3A_307 = tpu.vector_load_idx %arg6[%parallel_loop3A_306] : memref<128xf32, #tpu.memory_space<vmem>>[vector<16xi32>], vector<16xf32>,
      %parallel_loop3A_308 = arith.mulf %parallel_loop3A_304, %parallel_loop3A_307 : vector<16xf32>
      %parallel_loop3A_309 = arith.addf %parallel_loop3A_251, %parallel_loop3A_308 : vector<16xf32>
      %parallel_loop3A_310 = arith.constant 39 : i32
      %parallel_loop3A_311 = vector.broadcast %parallel_loop3A_310 : i32 to vector<16xi32>
      %parallel_loop3A_312 = tpu.vector_load_idx %arg6[%parallel_loop3A_311] : memref<128xf32, #tpu.memory_space<vmem>>[vector<16xi32>], vector<16xf32>,
      %parallel_loop3A_313 = arith.mulf %parallel_loop3A_304, %parallel_loop3A_312 : vector<16xf32>
      %parallel_loop3A_314 = arith.addf %parallel_loop3A_256, %parallel_loop3A_313 : vector<16xf32>
      %parallel_loop3A_315 = arith.constant 40 : i32
      %parallel_loop3A_316 = vector.broadcast %parallel_loop3A_315 : i32 to vector<16xi32>
      %parallel_loop3A_317 = tpu.vector_load_idx %arg6[%parallel_loop3A_316] : memref<128xf32, #tpu.memory_space<vmem>>[vector<16xi32>], vector<16xf32>,
      %parallel_loop3A_318 = arith.mulf %parallel_loop3A_304, %parallel_loop3A_317 : vector<16xf32>
      %parallel_loop3A_319 = arith.addf %parallel_loop3A_261, %parallel_loop3A_318 : vector<16xf32>
      %parallel_loop3A_320 = arith.constant 41 : i32
      %parallel_loop3A_321 = vector.broadcast %parallel_loop3A_320 : i32 to vector<16xi32>
      %parallel_loop3A_322 = tpu.vector_load_idx %arg6[%parallel_loop3A_321] : memref<128xf32, #tpu.memory_space<vmem>>[vector<16xi32>], vector<16xf32>,
      %parallel_loop3A_323 = arith.mulf %parallel_loop3A_304, %parallel_loop3A_322 : vector<16xf32>
      %parallel_loop3A_324 = arith.addf %parallel_loop3A_266, %parallel_loop3A_323 : vector<16xf32>
      %parallel_loop3A_325 = arith.constant 42 : i32
      %parallel_loop3A_326 = vector.broadcast %parallel_loop3A_325 : i32 to vector<16xi32>
      %parallel_loop3A_327 = tpu.vector_load_idx %arg6[%parallel_loop3A_326] : memref<128xf32, #tpu.memory_space<vmem>>[vector<16xi32>], vector<16xf32>,
      %parallel_loop3A_328 = arith.mulf %parallel_loop3A_304, %parallel_loop3A_327 : vector<16xf32>
      %parallel_loop3A_329 = arith.addf %parallel_loop3A_271, %parallel_loop3A_328 : vector<16xf32>
      %parallel_loop3A_330 = arith.constant 43 : i32
      %parallel_loop3A_331 = vector.broadcast %parallel_loop3A_330 : i32 to vector<16xi32>
      %parallel_loop3A_332 = tpu.vector_load_idx %arg6[%parallel_loop3A_331] : memref<128xf32, #tpu.memory_space<vmem>>[vector<16xi32>], vector<16xf32>,
      %parallel_loop3A_333 = arith.mulf %parallel_loop3A_304, %parallel_loop3A_332 : vector<16xf32>
      %parallel_loop3A_334 = arith.addf %parallel_loop3A_276, %parallel_loop3A_333 : vector<16xf32>
      %parallel_loop3A_335 = arith.constant 44 : i32
      %parallel_loop3A_336 = vector.broadcast %parallel_loop3A_335 : i32 to vector<16xi32>
      %parallel_loop3A_337 = tpu.vector_load_idx %arg6[%parallel_loop3A_336] : memref<128xf32, #tpu.memory_space<vmem>>[vector<16xi32>], vector<16xf32>,
      %parallel_loop3A_338 = arith.mulf %parallel_loop3A_304, %parallel_loop3A_337 : vector<16xf32>
      %parallel_loop3A_339 = arith.addf %parallel_loop3A_281, %parallel_loop3A_338 : vector<16xf32>
      %parallel_loop3A_340 = arith.constant 45 : i32
      %parallel_loop3A_341 = vector.broadcast %parallel_loop3A_340 : i32 to vector<16xi32>
      %parallel_loop3A_342 = tpu.vector_load_idx %arg6[%parallel_loop3A_341] : memref<128xf32, #tpu.memory_space<vmem>>[vector<16xi32>], vector<16xf32>,
      %parallel_loop3A_343 = arith.mulf %parallel_loop3A_304, %parallel_loop3A_342 : vector<16xf32>
      %parallel_loop3A_344 = arith.addf %parallel_loop3A_286, %parallel_loop3A_343 : vector<16xf32>
      %parallel_loop3A_345 = arith.constant 46 : i32
      %parallel_loop3A_346 = vector.broadcast %parallel_loop3A_345 : i32 to vector<16xi32>
      %parallel_loop3A_347 = tpu.vector_load_idx %arg6[%parallel_loop3A_346] : memref<128xf32, #tpu.memory_space<vmem>>[vector<16xi32>], vector<16xf32>,
      %parallel_loop3A_348 = arith.mulf %parallel_loop3A_304, %parallel_loop3A_347 : vector<16xf32>
      %parallel_loop3A_349 = arith.addf %parallel_loop3A_291, %parallel_loop3A_348 : vector<16xf32>
      %parallel_loop3A_350 = arith.constant 47 : i32
      %parallel_loop3A_351 = vector.broadcast %parallel_loop3A_350 : i32 to vector<16xi32>
      %parallel_loop3A_352 = tpu.vector_load_idx %arg6[%parallel_loop3A_351] : memref<128xf32, #tpu.memory_space<vmem>>[vector<16xi32>], vector<16xf32>,
      %parallel_loop3A_353 = arith.mulf %parallel_loop3A_304, %parallel_loop3A_352 : vector<16xf32>
      %parallel_loop3A_354 = arith.addf %parallel_loop3A_296, %parallel_loop3A_353 : vector<16xf32>
      %parallel_loop3A_355 = arith.constant 4 : i32
      %parallel_loop3A_356 = vector.broadcast %parallel_loop3A_355 : i32 to vector<16xi32>
      %parallel_loop3A_357 = arith.addi %parallel_loop3A_97, %parallel_loop3A_356 : vector<16xi32>
      %parallel_loop3A_358 = tpu.vector_load_idx %arg7[%parallel_loop3A_357] : memref<9216xi32, #tpu.memory_space<vmem>>[vector<16xi32>], vector<16xi32>,
      %parallel_loop3A_359 = arith.sitofp %parallel_loop3A_358 : vector<16xi32> to vector<16xf32>
      %parallel_loop3A_360 = arith.constant 5.000000e-03 : f32
      %parallel_loop3A_361 = vector.broadcast %parallel_loop3A_360 : f32 to vector<16xf32>
      %parallel_loop3A_362 = arith.mulf %parallel_loop3A_359, %parallel_loop3A_361 : vector<16xf32>
      %parallel_loop3A_363 = arith.constant 48 : i32
      %parallel_loop3A_364 = vector.broadcast %parallel_loop3A_363 : i32 to vector<16xi32>
      %parallel_loop3A_365 = tpu.vector_load_idx %arg6[%parallel_loop3A_364] : memref<128xf32, #tpu.memory_space<vmem>>[vector<16xi32>], vector<16xf32>,
      %parallel_loop3A_366 = arith.mulf %parallel_loop3A_362, %parallel_loop3A_365 : vector<16xf32>
      %parallel_loop3A_367 = arith.addf %parallel_loop3A_309, %parallel_loop3A_366 : vector<16xf32>
      %parallel_loop3A_368 = arith.constant 49 : i32
      %parallel_loop3A_369 = vector.broadcast %parallel_loop3A_368 : i32 to vector<16xi32>
      %parallel_loop3A_370 = tpu.vector_load_idx %arg6[%parallel_loop3A_369] : memref<128xf32, #tpu.memory_space<vmem>>[vector<16xi32>], vector<16xf32>,
      %parallel_loop3A_371 = arith.mulf %parallel_loop3A_362, %parallel_loop3A_370 : vector<16xf32>
      %parallel_loop3A_372 = arith.addf %parallel_loop3A_314, %parallel_loop3A_371 : vector<16xf32>
      %parallel_loop3A_373 = arith.constant 50 : i32
      %parallel_loop3A_374 = vector.broadcast %parallel_loop3A_373 : i32 to vector<16xi32>
      %parallel_loop3A_375 = tpu.vector_load_idx %arg6[%parallel_loop3A_374] : memref<128xf32, #tpu.memory_space<vmem>>[vector<16xi32>], vector<16xf32>,
      %parallel_loop3A_376 = arith.mulf %parallel_loop3A_362, %parallel_loop3A_375 : vector<16xf32>
      %parallel_loop3A_377 = arith.addf %parallel_loop3A_319, %parallel_loop3A_376 : vector<16xf32>
      %parallel_loop3A_378 = arith.constant 51 : i32
      %parallel_loop3A_379 = vector.broadcast %parallel_loop3A_378 : i32 to vector<16xi32>
      %parallel_loop3A_380 = tpu.vector_load_idx %arg6[%parallel_loop3A_379] : memref<128xf32, #tpu.memory_space<vmem>>[vector<16xi32>], vector<16xf32>,
      %parallel_loop3A_381 = arith.mulf %parallel_loop3A_362, %parallel_loop3A_380 : vector<16xf32>
      %parallel_loop3A_382 = arith.addf %parallel_loop3A_324, %parallel_loop3A_381 : vector<16xf32>
      %parallel_loop3A_383 = arith.constant 52 : i32
      %parallel_loop3A_384 = vector.broadcast %parallel_loop3A_383 : i32 to vector<16xi32>
      %parallel_loop3A_385 = tpu.vector_load_idx %arg6[%parallel_loop3A_384] : memref<128xf32, #tpu.memory_space<vmem>>[vector<16xi32>], vector<16xf32>,
      %parallel_loop3A_386 = arith.mulf %parallel_loop3A_362, %parallel_loop3A_385 : vector<16xf32>
      %parallel_loop3A_387 = arith.addf %parallel_loop3A_329, %parallel_loop3A_386 : vector<16xf32>
      %parallel_loop3A_388 = arith.constant 53 : i32
      %parallel_loop3A_389 = vector.broadcast %parallel_loop3A_388 : i32 to vector<16xi32>
      %parallel_loop3A_390 = tpu.vector_load_idx %arg6[%parallel_loop3A_389] : memref<128xf32, #tpu.memory_space<vmem>>[vector<16xi32>], vector<16xf32>,
      %parallel_loop3A_391 = arith.mulf %parallel_loop3A_362, %parallel_loop3A_390 : vector<16xf32>
      %parallel_loop3A_392 = arith.addf %parallel_loop3A_334, %parallel_loop3A_391 : vector<16xf32>
      %parallel_loop3A_393 = arith.constant 54 : i32
      %parallel_loop3A_394 = vector.broadcast %parallel_loop3A_393 : i32 to vector<16xi32>
      %parallel_loop3A_395 = tpu.vector_load_idx %arg6[%parallel_loop3A_394] : memref<128xf32, #tpu.memory_space<vmem>>[vector<16xi32>], vector<16xf32>,
      %parallel_loop3A_396 = arith.mulf %parallel_loop3A_362, %parallel_loop3A_395 : vector<16xf32>
      %parallel_loop3A_397 = arith.addf %parallel_loop3A_339, %parallel_loop3A_396 : vector<16xf32>
      %parallel_loop3A_398 = arith.constant 55 : i32
      %parallel_loop3A_399 = vector.broadcast %parallel_loop3A_398 : i32 to vector<16xi32>
      %parallel_loop3A_400 = tpu.vector_load_idx %arg6[%parallel_loop3A_399] : memref<128xf32, #tpu.memory_space<vmem>>[vector<16xi32>], vector<16xf32>,
      %parallel_loop3A_401 = arith.mulf %parallel_loop3A_362, %parallel_loop3A_400 : vector<16xf32>
      %parallel_loop3A_402 = arith.addf %parallel_loop3A_344, %parallel_loop3A_401 : vector<16xf32>
      %parallel_loop3A_403 = arith.constant 56 : i32
      %parallel_loop3A_404 = vector.broadcast %parallel_loop3A_403 : i32 to vector<16xi32>
      %parallel_loop3A_405 = tpu.vector_load_idx %arg6[%parallel_loop3A_404] : memref<128xf32, #tpu.memory_space<vmem>>[vector<16xi32>], vector<16xf32>,
      %parallel_loop3A_406 = arith.mulf %parallel_loop3A_362, %parallel_loop3A_405 : vector<16xf32>
      %parallel_loop3A_407 = arith.addf %parallel_loop3A_349, %parallel_loop3A_406 : vector<16xf32>
      %parallel_loop3A_408 = arith.constant 57 : i32
      %parallel_loop3A_409 = vector.broadcast %parallel_loop3A_408 : i32 to vector<16xi32>
      %parallel_loop3A_410 = tpu.vector_load_idx %arg6[%parallel_loop3A_409] : memref<128xf32, #tpu.memory_space<vmem>>[vector<16xi32>], vector<16xf32>,
      %parallel_loop3A_411 = arith.mulf %parallel_loop3A_362, %parallel_loop3A_410 : vector<16xf32>
      %parallel_loop3A_412 = arith.addf %parallel_loop3A_354, %parallel_loop3A_411 : vector<16xf32>
      %parallel_loop3A_413 = arith.constant 5 : i32
      %parallel_loop3A_414 = vector.broadcast %parallel_loop3A_413 : i32 to vector<16xi32>
      %parallel_loop3A_415 = arith.addi %parallel_loop3A_97, %parallel_loop3A_414 : vector<16xi32>
      %parallel_loop3A_416 = tpu.vector_load_idx %arg7[%parallel_loop3A_415] : memref<9216xi32, #tpu.memory_space<vmem>>[vector<16xi32>], vector<16xi32>,
      %parallel_loop3A_417 = arith.sitofp %parallel_loop3A_416 : vector<16xi32> to vector<16xf32>
      %parallel_loop3A_418 = arith.constant 5.000000e-03 : f32
      %parallel_loop3A_419 = vector.broadcast %parallel_loop3A_418 : f32 to vector<16xf32>
      %parallel_loop3A_420 = arith.mulf %parallel_loop3A_417, %parallel_loop3A_419 : vector<16xf32>
      %parallel_loop3A_421 = arith.constant 58 : i32
      %parallel_loop3A_422 = vector.broadcast %parallel_loop3A_421 : i32 to vector<16xi32>
      %parallel_loop3A_423 = tpu.vector_load_idx %arg6[%parallel_loop3A_422] : memref<128xf32, #tpu.memory_space<vmem>>[vector<16xi32>], vector<16xf32>,
      %parallel_loop3A_424 = arith.mulf %parallel_loop3A_420, %parallel_loop3A_423 : vector<16xf32>
      %parallel_loop3A_425 = arith.addf %parallel_loop3A_367, %parallel_loop3A_424 : vector<16xf32>
      %parallel_loop3A_426 = arith.constant 59 : i32
      %parallel_loop3A_427 = vector.broadcast %parallel_loop3A_426 : i32 to vector<16xi32>
      %parallel_loop3A_428 = tpu.vector_load_idx %arg6[%parallel_loop3A_427] : memref<128xf32, #tpu.memory_space<vmem>>[vector<16xi32>], vector<16xf32>,
      %parallel_loop3A_429 = arith.mulf %parallel_loop3A_420, %parallel_loop3A_428 : vector<16xf32>
      %parallel_loop3A_430 = arith.addf %parallel_loop3A_372, %parallel_loop3A_429 : vector<16xf32>
      %parallel_loop3A_431 = arith.constant 60 : i32
      %parallel_loop3A_432 = vector.broadcast %parallel_loop3A_431 : i32 to vector<16xi32>
      %parallel_loop3A_433 = tpu.vector_load_idx %arg6[%parallel_loop3A_432] : memref<128xf32, #tpu.memory_space<vmem>>[vector<16xi32>], vector<16xf32>,
      %parallel_loop3A_434 = arith.mulf %parallel_loop3A_420, %parallel_loop3A_433 : vector<16xf32>
      %parallel_loop3A_435 = arith.addf %parallel_loop3A_377, %parallel_loop3A_434 : vector<16xf32>
      %parallel_loop3A_436 = arith.constant 61 : i32
      %parallel_loop3A_437 = vector.broadcast %parallel_loop3A_436 : i32 to vector<16xi32>
      %parallel_loop3A_438 = tpu.vector_load_idx %arg6[%parallel_loop3A_437] : memref<128xf32, #tpu.memory_space<vmem>>[vector<16xi32>], vector<16xf32>,
      %parallel_loop3A_439 = arith.mulf %parallel_loop3A_420, %parallel_loop3A_438 : vector<16xf32>
      %parallel_loop3A_440 = arith.addf %parallel_loop3A_382, %parallel_loop3A_439 : vector<16xf32>
      %parallel_loop3A_441 = arith.constant 62 : i32
      %parallel_loop3A_442 = vector.broadcast %parallel_loop3A_441 : i32 to vector<16xi32>
      %parallel_loop3A_443 = tpu.vector_load_idx %arg6[%parallel_loop3A_442] : memref<128xf32, #tpu.memory_space<vmem>>[vector<16xi32>], vector<16xf32>,
      %parallel_loop3A_444 = arith.mulf %parallel_loop3A_420, %parallel_loop3A_443 : vector<16xf32>
      %parallel_loop3A_445 = arith.addf %parallel_loop3A_387, %parallel_loop3A_444 : vector<16xf32>
      %parallel_loop3A_446 = arith.constant 63 : i32
      %parallel_loop3A_447 = vector.broadcast %parallel_loop3A_446 : i32 to vector<16xi32>
      %parallel_loop3A_448 = tpu.vector_load_idx %arg6[%parallel_loop3A_447] : memref<128xf32, #tpu.memory_space<vmem>>[vector<16xi32>], vector<16xf32>,
      %parallel_loop3A_449 = arith.mulf %parallel_loop3A_420, %parallel_loop3A_448 : vector<16xf32>
      %parallel_loop3A_450 = arith.addf %parallel_loop3A_392, %parallel_loop3A_449 : vector<16xf32>
      %parallel_loop3A_451 = arith.constant 64 : i32
      %parallel_loop3A_452 = vector.broadcast %parallel_loop3A_451 : i32 to vector<16xi32>
      %parallel_loop3A_453 = tpu.vector_load_idx %arg6[%parallel_loop3A_452] : memref<128xf32, #tpu.memory_space<vmem>>[vector<16xi32>], vector<16xf32>,
      %parallel_loop3A_454 = arith.mulf %parallel_loop3A_420, %parallel_loop3A_453 : vector<16xf32>
      %parallel_loop3A_455 = arith.addf %parallel_loop3A_397, %parallel_loop3A_454 : vector<16xf32>
      %parallel_loop3A_456 = arith.constant 65 : i32
      %parallel_loop3A_457 = vector.broadcast %parallel_loop3A_456 : i32 to vector<16xi32>
      %parallel_loop3A_458 = tpu.vector_load_idx %arg6[%parallel_loop3A_457] : memref<128xf32, #tpu.memory_space<vmem>>[vector<16xi32>], vector<16xf32>,
      %parallel_loop3A_459 = arith.mulf %parallel_loop3A_420, %parallel_loop3A_458 : vector<16xf32>
      %parallel_loop3A_460 = arith.addf %parallel_loop3A_402, %parallel_loop3A_459 : vector<16xf32>
      %parallel_loop3A_461 = arith.constant 66 : i32
      %parallel_loop3A_462 = vector.broadcast %parallel_loop3A_461 : i32 to vector<16xi32>
      %parallel_loop3A_463 = tpu.vector_load_idx %arg6[%parallel_loop3A_462] : memref<128xf32, #tpu.memory_space<vmem>>[vector<16xi32>], vector<16xf32>,
      %parallel_loop3A_464 = arith.mulf %parallel_loop3A_420, %parallel_loop3A_463 : vector<16xf32>
      %parallel_loop3A_465 = arith.addf %parallel_loop3A_407, %parallel_loop3A_464 : vector<16xf32>
      %parallel_loop3A_466 = arith.constant 67 : i32
      %parallel_loop3A_467 = vector.broadcast %parallel_loop3A_466 : i32 to vector<16xi32>
      %parallel_loop3A_468 = tpu.vector_load_idx %arg6[%parallel_loop3A_467] : memref<128xf32, #tpu.memory_space<vmem>>[vector<16xi32>], vector<16xf32>,
      %parallel_loop3A_469 = arith.mulf %parallel_loop3A_420, %parallel_loop3A_468 : vector<16xf32>
      %parallel_loop3A_470 = arith.addf %parallel_loop3A_412, %parallel_loop3A_469 : vector<16xf32>
      %parallel_loop3A_471 = arith.constant 6 : i32
      %parallel_loop3A_472 = vector.broadcast %parallel_loop3A_471 : i32 to vector<16xi32>
      %parallel_loop3A_473 = arith.addi %parallel_loop3A_97, %parallel_loop3A_472 : vector<16xi32>
      %parallel_loop3A_474 = tpu.vector_load_idx %arg7[%parallel_loop3A_473] : memref<9216xi32, #tpu.memory_space<vmem>>[vector<16xi32>], vector<16xi32>,
      %parallel_loop3A_475 = arith.sitofp %parallel_loop3A_474 : vector<16xi32> to vector<16xf32>
      %parallel_loop3A_476 = arith.constant 5.000000e-03 : f32
      %parallel_loop3A_477 = vector.broadcast %parallel_loop3A_476 : f32 to vector<16xf32>
      %parallel_loop3A_478 = arith.mulf %parallel_loop3A_475, %parallel_loop3A_477 : vector<16xf32>
      %parallel_loop3A_479 = arith.constant 68 : i32
      %parallel_loop3A_480 = vector.broadcast %parallel_loop3A_479 : i32 to vector<16xi32>
      %parallel_loop3A_481 = tpu.vector_load_idx %arg6[%parallel_loop3A_480] : memref<128xf32, #tpu.memory_space<vmem>>[vector<16xi32>], vector<16xf32>,
      %parallel_loop3A_482 = arith.mulf %parallel_loop3A_478, %parallel_loop3A_481 : vector<16xf32>
      %parallel_loop3A_483 = arith.addf %parallel_loop3A_425, %parallel_loop3A_482 : vector<16xf32>
      %parallel_loop3A_484 = arith.constant 69 : i32
      %parallel_loop3A_485 = vector.broadcast %parallel_loop3A_484 : i32 to vector<16xi32>
      %parallel_loop3A_486 = tpu.vector_load_idx %arg6[%parallel_loop3A_485] : memref<128xf32, #tpu.memory_space<vmem>>[vector<16xi32>], vector<16xf32>,
      %parallel_loop3A_487 = arith.mulf %parallel_loop3A_478, %parallel_loop3A_486 : vector<16xf32>
      %parallel_loop3A_488 = arith.addf %parallel_loop3A_430, %parallel_loop3A_487 : vector<16xf32>
      %parallel_loop3A_489 = arith.constant 70 : i32
      %parallel_loop3A_490 = vector.broadcast %parallel_loop3A_489 : i32 to vector<16xi32>
      %parallel_loop3A_491 = tpu.vector_load_idx %arg6[%parallel_loop3A_490] : memref<128xf32, #tpu.memory_space<vmem>>[vector<16xi32>], vector<16xf32>,
      %parallel_loop3A_492 = arith.mulf %parallel_loop3A_478, %parallel_loop3A_491 : vector<16xf32>
      %parallel_loop3A_493 = arith.addf %parallel_loop3A_435, %parallel_loop3A_492 : vector<16xf32>
      %parallel_loop3A_494 = arith.constant 71 : i32
      %parallel_loop3A_495 = vector.broadcast %parallel_loop3A_494 : i32 to vector<16xi32>
      %parallel_loop3A_496 = tpu.vector_load_idx %arg6[%parallel_loop3A_495] : memref<128xf32, #tpu.memory_space<vmem>>[vector<16xi32>], vector<16xf32>,
      %parallel_loop3A_497 = arith.mulf %parallel_loop3A_478, %parallel_loop3A_496 : vector<16xf32>
      %parallel_loop3A_498 = arith.addf %parallel_loop3A_440, %parallel_loop3A_497 : vector<16xf32>
      %parallel_loop3A_499 = arith.constant 72 : i32
      %parallel_loop3A_500 = vector.broadcast %parallel_loop3A_499 : i32 to vector<16xi32>
      %parallel_loop3A_501 = tpu.vector_load_idx %arg6[%parallel_loop3A_500] : memref<128xf32, #tpu.memory_space<vmem>>[vector<16xi32>], vector<16xf32>,
      %parallel_loop3A_502 = arith.mulf %parallel_loop3A_478, %parallel_loop3A_501 : vector<16xf32>
      %parallel_loop3A_503 = arith.addf %parallel_loop3A_445, %parallel_loop3A_502 : vector<16xf32>
      %parallel_loop3A_504 = arith.constant 73 : i32
      %parallel_loop3A_505 = vector.broadcast %parallel_loop3A_504 : i32 to vector<16xi32>
      %parallel_loop3A_506 = tpu.vector_load_idx %arg6[%parallel_loop3A_505] : memref<128xf32, #tpu.memory_space<vmem>>[vector<16xi32>], vector<16xf32>,
      %parallel_loop3A_507 = arith.mulf %parallel_loop3A_478, %parallel_loop3A_506 : vector<16xf32>
      %parallel_loop3A_508 = arith.addf %parallel_loop3A_450, %parallel_loop3A_507 : vector<16xf32>
      %parallel_loop3A_509 = arith.constant 74 : i32
      %parallel_loop3A_510 = vector.broadcast %parallel_loop3A_509 : i32 to vector<16xi32>
      %parallel_loop3A_511 = tpu.vector_load_idx %arg6[%parallel_loop3A_510] : memref<128xf32, #tpu.memory_space<vmem>>[vector<16xi32>], vector<16xf32>,
      %parallel_loop3A_512 = arith.mulf %parallel_loop3A_478, %parallel_loop3A_511 : vector<16xf32>
      %parallel_loop3A_513 = arith.addf %parallel_loop3A_455, %parallel_loop3A_512 : vector<16xf32>
      %parallel_loop3A_514 = arith.constant 75 : i32
      %parallel_loop3A_515 = vector.broadcast %parallel_loop3A_514 : i32 to vector<16xi32>
      %parallel_loop3A_516 = tpu.vector_load_idx %arg6[%parallel_loop3A_515] : memref<128xf32, #tpu.memory_space<vmem>>[vector<16xi32>], vector<16xf32>,
      %parallel_loop3A_517 = arith.mulf %parallel_loop3A_478, %parallel_loop3A_516 : vector<16xf32>
      %parallel_loop3A_518 = arith.addf %parallel_loop3A_460, %parallel_loop3A_517 : vector<16xf32>
      %parallel_loop3A_519 = arith.constant 76 : i32
      %parallel_loop3A_520 = vector.broadcast %parallel_loop3A_519 : i32 to vector<16xi32>
      %parallel_loop3A_521 = tpu.vector_load_idx %arg6[%parallel_loop3A_520] : memref<128xf32, #tpu.memory_space<vmem>>[vector<16xi32>], vector<16xf32>,
      %parallel_loop3A_522 = arith.mulf %parallel_loop3A_478, %parallel_loop3A_521 : vector<16xf32>
      %parallel_loop3A_523 = arith.addf %parallel_loop3A_465, %parallel_loop3A_522 : vector<16xf32>
      %parallel_loop3A_524 = arith.constant 77 : i32
      %parallel_loop3A_525 = vector.broadcast %parallel_loop3A_524 : i32 to vector<16xi32>
      %parallel_loop3A_526 = tpu.vector_load_idx %arg6[%parallel_loop3A_525] : memref<128xf32, #tpu.memory_space<vmem>>[vector<16xi32>], vector<16xf32>,
      %parallel_loop3A_527 = arith.mulf %parallel_loop3A_478, %parallel_loop3A_526 : vector<16xf32>
      %parallel_loop3A_528 = arith.addf %parallel_loop3A_470, %parallel_loop3A_527 : vector<16xf32>
      %parallel_loop3A_529 = arith.constant 7 : i32
      %parallel_loop3A_530 = vector.broadcast %parallel_loop3A_529 : i32 to vector<16xi32>
      %parallel_loop3A_531 = arith.addi %parallel_loop3A_97, %parallel_loop3A_530 : vector<16xi32>
      %parallel_loop3A_532 = tpu.vector_load_idx %arg7[%parallel_loop3A_531] : memref<9216xi32, #tpu.memory_space<vmem>>[vector<16xi32>], vector<16xi32>,
      %parallel_loop3A_533 = arith.sitofp %parallel_loop3A_532 : vector<16xi32> to vector<16xf32>
      %parallel_loop3A_534 = arith.constant 5.000000e-03 : f32
      %parallel_loop3A_535 = vector.broadcast %parallel_loop3A_534 : f32 to vector<16xf32>
      %parallel_loop3A_536 = arith.mulf %parallel_loop3A_533, %parallel_loop3A_535 : vector<16xf32>
      %parallel_loop3A_537 = arith.constant 78 : i32
      %parallel_loop3A_538 = vector.broadcast %parallel_loop3A_537 : i32 to vector<16xi32>
      %parallel_loop3A_539 = tpu.vector_load_idx %arg6[%parallel_loop3A_538] : memref<128xf32, #tpu.memory_space<vmem>>[vector<16xi32>], vector<16xf32>,
      %parallel_loop3A_540 = arith.mulf %parallel_loop3A_536, %parallel_loop3A_539 : vector<16xf32>
      %parallel_loop3A_541 = arith.addf %parallel_loop3A_483, %parallel_loop3A_540 : vector<16xf32>
      %parallel_loop3A_542 = arith.constant 79 : i32
      %parallel_loop3A_543 = vector.broadcast %parallel_loop3A_542 : i32 to vector<16xi32>
      %parallel_loop3A_544 = tpu.vector_load_idx %arg6[%parallel_loop3A_543] : memref<128xf32, #tpu.memory_space<vmem>>[vector<16xi32>], vector<16xf32>,
      %parallel_loop3A_545 = arith.mulf %parallel_loop3A_536, %parallel_loop3A_544 : vector<16xf32>
      %parallel_loop3A_546 = arith.addf %parallel_loop3A_488, %parallel_loop3A_545 : vector<16xf32>
      %parallel_loop3A_547 = arith.constant 80 : i32
      %parallel_loop3A_548 = vector.broadcast %parallel_loop3A_547 : i32 to vector<16xi32>
      %parallel_loop3A_549 = tpu.vector_load_idx %arg6[%parallel_loop3A_548] : memref<128xf32, #tpu.memory_space<vmem>>[vector<16xi32>], vector<16xf32>,
      %parallel_loop3A_550 = arith.mulf %parallel_loop3A_536, %parallel_loop3A_549 : vector<16xf32>
      %parallel_loop3A_551 = arith.addf %parallel_loop3A_493, %parallel_loop3A_550 : vector<16xf32>
      %parallel_loop3A_552 = arith.constant 81 : i32
      %parallel_loop3A_553 = vector.broadcast %parallel_loop3A_552 : i32 to vector<16xi32>
      %parallel_loop3A_554 = tpu.vector_load_idx %arg6[%parallel_loop3A_553] : memref<128xf32, #tpu.memory_space<vmem>>[vector<16xi32>], vector<16xf32>,
      %parallel_loop3A_555 = arith.mulf %parallel_loop3A_536, %parallel_loop3A_554 : vector<16xf32>
      %parallel_loop3A_556 = arith.addf %parallel_loop3A_498, %parallel_loop3A_555 : vector<16xf32>
      %parallel_loop3A_557 = arith.constant 82 : i32
      %parallel_loop3A_558 = vector.broadcast %parallel_loop3A_557 : i32 to vector<16xi32>
      %parallel_loop3A_559 = tpu.vector_load_idx %arg6[%parallel_loop3A_558] : memref<128xf32, #tpu.memory_space<vmem>>[vector<16xi32>], vector<16xf32>,
      %parallel_loop3A_560 = arith.mulf %parallel_loop3A_536, %parallel_loop3A_559 : vector<16xf32>
      %parallel_loop3A_561 = arith.addf %parallel_loop3A_503, %parallel_loop3A_560 : vector<16xf32>
      %parallel_loop3A_562 = arith.constant 83 : i32
      %parallel_loop3A_563 = vector.broadcast %parallel_loop3A_562 : i32 to vector<16xi32>
      %parallel_loop3A_564 = tpu.vector_load_idx %arg6[%parallel_loop3A_563] : memref<128xf32, #tpu.memory_space<vmem>>[vector<16xi32>], vector<16xf32>,
      %parallel_loop3A_565 = arith.mulf %parallel_loop3A_536, %parallel_loop3A_564 : vector<16xf32>
      %parallel_loop3A_566 = arith.addf %parallel_loop3A_508, %parallel_loop3A_565 : vector<16xf32>
      %parallel_loop3A_567 = arith.constant 84 : i32
      %parallel_loop3A_568 = vector.broadcast %parallel_loop3A_567 : i32 to vector<16xi32>
      %parallel_loop3A_569 = tpu.vector_load_idx %arg6[%parallel_loop3A_568] : memref<128xf32, #tpu.memory_space<vmem>>[vector<16xi32>], vector<16xf32>,
      %parallel_loop3A_570 = arith.mulf %parallel_loop3A_536, %parallel_loop3A_569 : vector<16xf32>
      %parallel_loop3A_571 = arith.addf %parallel_loop3A_513, %parallel_loop3A_570 : vector<16xf32>
      %parallel_loop3A_572 = arith.constant 85 : i32
      %parallel_loop3A_573 = vector.broadcast %parallel_loop3A_572 : i32 to vector<16xi32>
      %parallel_loop3A_574 = tpu.vector_load_idx %arg6[%parallel_loop3A_573] : memref<128xf32, #tpu.memory_space<vmem>>[vector<16xi32>], vector<16xf32>,
      %parallel_loop3A_575 = arith.mulf %parallel_loop3A_536, %parallel_loop3A_574 : vector<16xf32>
      %parallel_loop3A_576 = arith.addf %parallel_loop3A_518, %parallel_loop3A_575 : vector<16xf32>
      %parallel_loop3A_577 = arith.constant 86 : i32
      %parallel_loop3A_578 = vector.broadcast %parallel_loop3A_577 : i32 to vector<16xi32>
      %parallel_loop3A_579 = tpu.vector_load_idx %arg6[%parallel_loop3A_578] : memref<128xf32, #tpu.memory_space<vmem>>[vector<16xi32>], vector<16xf32>,
      %parallel_loop3A_580 = arith.mulf %parallel_loop3A_536, %parallel_loop3A_579 : vector<16xf32>
      %parallel_loop3A_581 = arith.addf %parallel_loop3A_523, %parallel_loop3A_580 : vector<16xf32>
      %parallel_loop3A_582 = arith.constant 87 : i32
      %parallel_loop3A_583 = vector.broadcast %parallel_loop3A_582 : i32 to vector<16xi32>
      %parallel_loop3A_584 = tpu.vector_load_idx %arg6[%parallel_loop3A_583] : memref<128xf32, #tpu.memory_space<vmem>>[vector<16xi32>], vector<16xf32>,
      %parallel_loop3A_585 = arith.mulf %parallel_loop3A_536, %parallel_loop3A_584 : vector<16xf32>
      %parallel_loop3A_586 = arith.addf %parallel_loop3A_528, %parallel_loop3A_585 : vector<16xf32>
      %parallel_loop3A_587 = arith.constant 8 : i32
      %parallel_loop3A_588 = vector.broadcast %parallel_loop3A_587 : i32 to vector<16xi32>
      %parallel_loop3A_589 = arith.addi %parallel_loop3A_97, %parallel_loop3A_588 : vector<16xi32>
      %parallel_loop3A_590 = tpu.vector_load_idx %arg7[%parallel_loop3A_589] : memref<9216xi32, #tpu.memory_space<vmem>>[vector<16xi32>], vector<16xi32>,
      %parallel_loop3A_591 = arith.sitofp %parallel_loop3A_590 : vector<16xi32> to vector<16xf32>
      %parallel_loop3A_592 = arith.constant 5.000000e-03 : f32
      %parallel_loop3A_593 = vector.broadcast %parallel_loop3A_592 : f32 to vector<16xf32>
      %parallel_loop3A_594 = arith.mulf %parallel_loop3A_591, %parallel_loop3A_593 : vector<16xf32>
      %parallel_loop3A_595 = arith.constant 88 : i32
      %parallel_loop3A_596 = vector.broadcast %parallel_loop3A_595 : i32 to vector<16xi32>
      %parallel_loop3A_597 = tpu.vector_load_idx %arg6[%parallel_loop3A_596] : memref<128xf32, #tpu.memory_space<vmem>>[vector<16xi32>], vector<16xf32>,
      %parallel_loop3A_598 = arith.mulf %parallel_loop3A_594, %parallel_loop3A_597 : vector<16xf32>
      %parallel_loop3A_599 = arith.addf %parallel_loop3A_541, %parallel_loop3A_598 : vector<16xf32>
      %parallel_loop3A_600 = arith.constant 89 : i32
      %parallel_loop3A_601 = vector.broadcast %parallel_loop3A_600 : i32 to vector<16xi32>
      %parallel_loop3A_602 = tpu.vector_load_idx %arg6[%parallel_loop3A_601] : memref<128xf32, #tpu.memory_space<vmem>>[vector<16xi32>], vector<16xf32>,
      %parallel_loop3A_603 = arith.mulf %parallel_loop3A_594, %parallel_loop3A_602 : vector<16xf32>
      %parallel_loop3A_604 = arith.addf %parallel_loop3A_546, %parallel_loop3A_603 : vector<16xf32>
      %parallel_loop3A_605 = arith.constant 90 : i32
      %parallel_loop3A_606 = vector.broadcast %parallel_loop3A_605 : i32 to vector<16xi32>
      %parallel_loop3A_607 = tpu.vector_load_idx %arg6[%parallel_loop3A_606] : memref<128xf32, #tpu.memory_space<vmem>>[vector<16xi32>], vector<16xf32>,
      %parallel_loop3A_608 = arith.mulf %parallel_loop3A_594, %parallel_loop3A_607 : vector<16xf32>
      %parallel_loop3A_609 = arith.addf %parallel_loop3A_551, %parallel_loop3A_608 : vector<16xf32>
      %parallel_loop3A_610 = arith.constant 91 : i32
      %parallel_loop3A_611 = vector.broadcast %parallel_loop3A_610 : i32 to vector<16xi32>
      %parallel_loop3A_612 = tpu.vector_load_idx %arg6[%parallel_loop3A_611] : memref<128xf32, #tpu.memory_space<vmem>>[vector<16xi32>], vector<16xf32>,
      %parallel_loop3A_613 = arith.mulf %parallel_loop3A_594, %parallel_loop3A_612 : vector<16xf32>
      %parallel_loop3A_614 = arith.addf %parallel_loop3A_556, %parallel_loop3A_613 : vector<16xf32>
      %parallel_loop3A_615 = arith.constant 92 : i32
      %parallel_loop3A_616 = vector.broadcast %parallel_loop3A_615 : i32 to vector<16xi32>
      %parallel_loop3A_617 = tpu.vector_load_idx %arg6[%parallel_loop3A_616] : memref<128xf32, #tpu.memory_space<vmem>>[vector<16xi32>], vector<16xf32>,
      %parallel_loop3A_618 = arith.mulf %parallel_loop3A_594, %parallel_loop3A_617 : vector<16xf32>
      %parallel_loop3A_619 = arith.addf %parallel_loop3A_561, %parallel_loop3A_618 : vector<16xf32>
      %parallel_loop3A_620 = arith.constant 93 : i32
      %parallel_loop3A_621 = vector.broadcast %parallel_loop3A_620 : i32 to vector<16xi32>
      %parallel_loop3A_622 = tpu.vector_load_idx %arg6[%parallel_loop3A_621] : memref<128xf32, #tpu.memory_space<vmem>>[vector<16xi32>], vector<16xf32>,
      %parallel_loop3A_623 = arith.mulf %parallel_loop3A_594, %parallel_loop3A_622 : vector<16xf32>
      %parallel_loop3A_624 = arith.addf %parallel_loop3A_566, %parallel_loop3A_623 : vector<16xf32>
      %parallel_loop3A_625 = arith.constant 94 : i32
      %parallel_loop3A_626 = vector.broadcast %parallel_loop3A_625 : i32 to vector<16xi32>
      %parallel_loop3A_627 = tpu.vector_load_idx %arg6[%parallel_loop3A_626] : memref<128xf32, #tpu.memory_space<vmem>>[vector<16xi32>], vector<16xf32>,
      %parallel_loop3A_628 = arith.mulf %parallel_loop3A_594, %parallel_loop3A_627 : vector<16xf32>
      %parallel_loop3A_629 = arith.addf %parallel_loop3A_571, %parallel_loop3A_628 : vector<16xf32>
      %parallel_loop3A_630 = arith.constant 95 : i32
      %parallel_loop3A_631 = vector.broadcast %parallel_loop3A_630 : i32 to vector<16xi32>
      %parallel_loop3A_632 = tpu.vector_load_idx %arg6[%parallel_loop3A_631] : memref<128xf32, #tpu.memory_space<vmem>>[vector<16xi32>], vector<16xf32>,
      %parallel_loop3A_633 = arith.mulf %parallel_loop3A_594, %parallel_loop3A_632 : vector<16xf32>
      %parallel_loop3A_634 = arith.addf %parallel_loop3A_576, %parallel_loop3A_633 : vector<16xf32>
      %parallel_loop3A_635 = arith.constant 96 : i32
      %parallel_loop3A_636 = vector.broadcast %parallel_loop3A_635 : i32 to vector<16xi32>
      %parallel_loop3A_637 = tpu.vector_load_idx %arg6[%parallel_loop3A_636] : memref<128xf32, #tpu.memory_space<vmem>>[vector<16xi32>], vector<16xf32>,
      %parallel_loop3A_638 = arith.mulf %parallel_loop3A_594, %parallel_loop3A_637 : vector<16xf32>
      %parallel_loop3A_639 = arith.addf %parallel_loop3A_581, %parallel_loop3A_638 : vector<16xf32>
      %parallel_loop3A_640 = arith.constant 97 : i32
      %parallel_loop3A_641 = vector.broadcast %parallel_loop3A_640 : i32 to vector<16xi32>
      %parallel_loop3A_642 = tpu.vector_load_idx %arg6[%parallel_loop3A_641] : memref<128xf32, #tpu.memory_space<vmem>>[vector<16xi32>], vector<16xf32>,
      %parallel_loop3A_643 = arith.mulf %parallel_loop3A_594, %parallel_loop3A_642 : vector<16xf32>
      %parallel_loop3A_644 = arith.addf %parallel_loop3A_586, %parallel_loop3A_643 : vector<16xf32>
      %parallel_loop3A_645 = arith.constant 9 : i32
      %parallel_loop3A_646 = vector.broadcast %parallel_loop3A_645 : i32 to vector<16xi32>
      %parallel_loop3A_647 = arith.addi %parallel_loop3A_97, %parallel_loop3A_646 : vector<16xi32>
      %parallel_loop3A_648 = tpu.vector_load_idx %arg7[%parallel_loop3A_647] : memref<9216xi32, #tpu.memory_space<vmem>>[vector<16xi32>], vector<16xi32>,
      %parallel_loop3A_649 = arith.sitofp %parallel_loop3A_648 : vector<16xi32> to vector<16xf32>
      %parallel_loop3A_650 = arith.constant 5.000000e-03 : f32
      %parallel_loop3A_651 = vector.broadcast %parallel_loop3A_650 : f32 to vector<16xf32>
      %parallel_loop3A_652 = arith.mulf %parallel_loop3A_649, %parallel_loop3A_651 : vector<16xf32>
      %parallel_loop3A_653 = arith.constant 98 : i32
      %parallel_loop3A_654 = vector.broadcast %parallel_loop3A_653 : i32 to vector<16xi32>
      %parallel_loop3A_655 = tpu.vector_load_idx %arg6[%parallel_loop3A_654] : memref<128xf32, #tpu.memory_space<vmem>>[vector<16xi32>], vector<16xf32>,
      %parallel_loop3A_656 = arith.mulf %parallel_loop3A_652, %parallel_loop3A_655 : vector<16xf32>
      %parallel_loop3A_657 = arith.addf %parallel_loop3A_599, %parallel_loop3A_656 : vector<16xf32>
      %parallel_loop3A_658 = arith.constant 99 : i32
      %parallel_loop3A_659 = vector.broadcast %parallel_loop3A_658 : i32 to vector<16xi32>
      %parallel_loop3A_660 = tpu.vector_load_idx %arg6[%parallel_loop3A_659] : memref<128xf32, #tpu.memory_space<vmem>>[vector<16xi32>], vector<16xf32>,
      %parallel_loop3A_661 = arith.mulf %parallel_loop3A_652, %parallel_loop3A_660 : vector<16xf32>
      %parallel_loop3A_662 = arith.addf %parallel_loop3A_604, %parallel_loop3A_661 : vector<16xf32>
      %parallel_loop3A_663 = arith.constant 100 : i32
      %parallel_loop3A_664 = vector.broadcast %parallel_loop3A_663 : i32 to vector<16xi32>
      %parallel_loop3A_665 = tpu.vector_load_idx %arg6[%parallel_loop3A_664] : memref<128xf32, #tpu.memory_space<vmem>>[vector<16xi32>], vector<16xf32>,
      %parallel_loop3A_666 = arith.mulf %parallel_loop3A_652, %parallel_loop3A_665 : vector<16xf32>
      %parallel_loop3A_667 = arith.addf %parallel_loop3A_609, %parallel_loop3A_666 : vector<16xf32>
      %parallel_loop3A_668 = arith.constant 101 : i32
      %parallel_loop3A_669 = vector.broadcast %parallel_loop3A_668 : i32 to vector<16xi32>
      %parallel_loop3A_670 = tpu.vector_load_idx %arg6[%parallel_loop3A_669] : memref<128xf32, #tpu.memory_space<vmem>>[vector<16xi32>], vector<16xf32>,
      %parallel_loop3A_671 = arith.mulf %parallel_loop3A_652, %parallel_loop3A_670 : vector<16xf32>
      %parallel_loop3A_672 = arith.addf %parallel_loop3A_614, %parallel_loop3A_671 : vector<16xf32>
      %parallel_loop3A_673 = arith.constant 102 : i32
      %parallel_loop3A_674 = vector.broadcast %parallel_loop3A_673 : i32 to vector<16xi32>
      %parallel_loop3A_675 = tpu.vector_load_idx %arg6[%parallel_loop3A_674] : memref<128xf32, #tpu.memory_space<vmem>>[vector<16xi32>], vector<16xf32>,
      %parallel_loop3A_676 = arith.mulf %parallel_loop3A_652, %parallel_loop3A_675 : vector<16xf32>
      %parallel_loop3A_677 = arith.addf %parallel_loop3A_619, %parallel_loop3A_676 : vector<16xf32>
      %parallel_loop3A_678 = arith.constant 103 : i32
      %parallel_loop3A_679 = vector.broadcast %parallel_loop3A_678 : i32 to vector<16xi32>
      %parallel_loop3A_680 = tpu.vector_load_idx %arg6[%parallel_loop3A_679] : memref<128xf32, #tpu.memory_space<vmem>>[vector<16xi32>], vector<16xf32>,
      %parallel_loop3A_681 = arith.mulf %parallel_loop3A_652, %parallel_loop3A_680 : vector<16xf32>
      %parallel_loop3A_682 = arith.addf %parallel_loop3A_624, %parallel_loop3A_681 : vector<16xf32>
      %parallel_loop3A_683 = arith.constant 104 : i32
      %parallel_loop3A_684 = vector.broadcast %parallel_loop3A_683 : i32 to vector<16xi32>
      %parallel_loop3A_685 = tpu.vector_load_idx %arg6[%parallel_loop3A_684] : memref<128xf32, #tpu.memory_space<vmem>>[vector<16xi32>], vector<16xf32>,
      %parallel_loop3A_686 = arith.mulf %parallel_loop3A_652, %parallel_loop3A_685 : vector<16xf32>
      %parallel_loop3A_687 = arith.addf %parallel_loop3A_629, %parallel_loop3A_686 : vector<16xf32>
      %parallel_loop3A_688 = arith.constant 105 : i32
      %parallel_loop3A_689 = vector.broadcast %parallel_loop3A_688 : i32 to vector<16xi32>
      %parallel_loop3A_690 = tpu.vector_load_idx %arg6[%parallel_loop3A_689] : memref<128xf32, #tpu.memory_space<vmem>>[vector<16xi32>], vector<16xf32>,
      %parallel_loop3A_691 = arith.mulf %parallel_loop3A_652, %parallel_loop3A_690 : vector<16xf32>
      %parallel_loop3A_692 = arith.addf %parallel_loop3A_634, %parallel_loop3A_691 : vector<16xf32>
      %parallel_loop3A_693 = arith.constant 106 : i32
      %parallel_loop3A_694 = vector.broadcast %parallel_loop3A_693 : i32 to vector<16xi32>
      %parallel_loop3A_695 = tpu.vector_load_idx %arg6[%parallel_loop3A_694] : memref<128xf32, #tpu.memory_space<vmem>>[vector<16xi32>], vector<16xf32>,
      %parallel_loop3A_696 = arith.mulf %parallel_loop3A_652, %parallel_loop3A_695 : vector<16xf32>
      %parallel_loop3A_697 = arith.addf %parallel_loop3A_639, %parallel_loop3A_696 : vector<16xf32>
      %parallel_loop3A_698 = arith.constant 107 : i32
      %parallel_loop3A_699 = vector.broadcast %parallel_loop3A_698 : i32 to vector<16xi32>
      %parallel_loop3A_700 = tpu.vector_load_idx %arg6[%parallel_loop3A_699] : memref<128xf32, #tpu.memory_space<vmem>>[vector<16xi32>], vector<16xf32>,
      %parallel_loop3A_701 = arith.mulf %parallel_loop3A_652, %parallel_loop3A_700 : vector<16xf32>
      %parallel_loop3A_702 = arith.addf %parallel_loop3A_644, %parallel_loop3A_701 : vector<16xf32>
      %parallel_loop3A_703 = arith.constant 16 : i32
      %parallel_loop3A_704 = arith.muli %parallel_loop3A_19, %parallel_loop3A_703 : i32
      %parallel_loop3A_705 = vector.broadcast %parallel_loop3A_704 : i32 to vector<16xi32>
      %parallel_loop3A_706 = arith.addi %parallel_loop3A_705, %iota3A : vector<16xi32>
      %parallel_loop3A_707 = arith.constant 10 : i32
      %parallel_loop3A_708 = vector.broadcast %parallel_loop3A_707 : i32 to vector<16xi32>
      %parallel_loop3A_709 = arith.muli %parallel_loop3A_706, %parallel_loop3A_708 : vector<16xi32>
      %parallel_loop3A_710 = arith.constant 0 : i32
      %parallel_loop3A_711 = vector.broadcast %parallel_loop3A_710 : i32 to vector<16xi32>
      %parallel_loop3A_712 = arith.addi %parallel_loop3A_709, %parallel_loop3A_711 : vector<16xi32>
      tpu.vector_store_idx %arg8[%parallel_loop3A_712], %parallel_loop3A_657 : memref<5120xf32, #tpu.memory_space<vmem>>[vector<16xi32>], vector<16xf32>,
      %parallel_loop3A_713 = arith.constant 1 : i32
      %parallel_loop3A_714 = vector.broadcast %parallel_loop3A_713 : i32 to vector<16xi32>
      %parallel_loop3A_715 = arith.addi %parallel_loop3A_709, %parallel_loop3A_714 : vector<16xi32>
      tpu.vector_store_idx %arg8[%parallel_loop3A_715], %parallel_loop3A_662 : memref<5120xf32, #tpu.memory_space<vmem>>[vector<16xi32>], vector<16xf32>,
      %parallel_loop3A_716 = arith.constant 2 : i32
      %parallel_loop3A_717 = vector.broadcast %parallel_loop3A_716 : i32 to vector<16xi32>
      %parallel_loop3A_718 = arith.addi %parallel_loop3A_709, %parallel_loop3A_717 : vector<16xi32>
      tpu.vector_store_idx %arg8[%parallel_loop3A_718], %parallel_loop3A_667 : memref<5120xf32, #tpu.memory_space<vmem>>[vector<16xi32>], vector<16xf32>,
      %parallel_loop3A_719 = arith.constant 3 : i32
      %parallel_loop3A_720 = vector.broadcast %parallel_loop3A_719 : i32 to vector<16xi32>
      %parallel_loop3A_721 = arith.addi %parallel_loop3A_709, %parallel_loop3A_720 : vector<16xi32>
      tpu.vector_store_idx %arg8[%parallel_loop3A_721], %parallel_loop3A_672 : memref<5120xf32, #tpu.memory_space<vmem>>[vector<16xi32>], vector<16xf32>,
      %parallel_loop3A_722 = arith.constant 4 : i32
      %parallel_loop3A_723 = vector.broadcast %parallel_loop3A_722 : i32 to vector<16xi32>
      %parallel_loop3A_724 = arith.addi %parallel_loop3A_709, %parallel_loop3A_723 : vector<16xi32>
      tpu.vector_store_idx %arg8[%parallel_loop3A_724], %parallel_loop3A_677 : memref<5120xf32, #tpu.memory_space<vmem>>[vector<16xi32>], vector<16xf32>,
      %parallel_loop3A_725 = arith.constant 5 : i32
      %parallel_loop3A_726 = vector.broadcast %parallel_loop3A_725 : i32 to vector<16xi32>
      %parallel_loop3A_727 = arith.addi %parallel_loop3A_709, %parallel_loop3A_726 : vector<16xi32>
      tpu.vector_store_idx %arg8[%parallel_loop3A_727], %parallel_loop3A_682 : memref<5120xf32, #tpu.memory_space<vmem>>[vector<16xi32>], vector<16xf32>,
      %parallel_loop3A_728 = arith.constant 6 : i32
      %parallel_loop3A_729 = vector.broadcast %parallel_loop3A_728 : i32 to vector<16xi32>
      %parallel_loop3A_730 = arith.addi %parallel_loop3A_709, %parallel_loop3A_729 : vector<16xi32>
      tpu.vector_store_idx %arg8[%parallel_loop3A_730], %parallel_loop3A_687 : memref<5120xf32, #tpu.memory_space<vmem>>[vector<16xi32>], vector<16xf32>,
      %parallel_loop3A_731 = arith.constant 7 : i32
      %parallel_loop3A_732 = vector.broadcast %parallel_loop3A_731 : i32 to vector<16xi32>
      %parallel_loop3A_733 = arith.addi %parallel_loop3A_709, %parallel_loop3A_732 : vector<16xi32>
      tpu.vector_store_idx %arg8[%parallel_loop3A_733], %parallel_loop3A_692 : memref<5120xf32, #tpu.memory_space<vmem>>[vector<16xi32>], vector<16xf32>,
      %parallel_loop3A_734 = arith.constant 8 : i32
      %parallel_loop3A_735 = vector.broadcast %parallel_loop3A_734 : i32 to vector<16xi32>
      %parallel_loop3A_736 = arith.addi %parallel_loop3A_709, %parallel_loop3A_735 : vector<16xi32>
      tpu.vector_store_idx %arg8[%parallel_loop3A_736], %parallel_loop3A_697 : memref<5120xf32, #tpu.memory_space<vmem>>[vector<16xi32>], vector<16xf32>,
      %parallel_loop3A_737 = arith.constant 9 : i32
      %parallel_loop3A_738 = vector.broadcast %parallel_loop3A_737 : i32 to vector<16xi32>
      %parallel_loop3A_739 = arith.addi %parallel_loop3A_709, %parallel_loop3A_738 : vector<16xi32>
      tpu.vector_store_idx %arg8[%parallel_loop3A_739], %parallel_loop3A_702 : memref<5120xf32, #tpu.memory_space<vmem>>[vector<16xi32>], vector<16xf32>,
    } {sc.loop_unroll_factor = 1 : i64, sc.parallel_access}
    %mul3A_14 = arith.constant 512 : i32
    %mul3A_15 = arith.muli %add3A, %mul3A_14 : i32
    %mul3A_16 = arith.constant 10 : i32
    %mul3A_17 = arith.muli %mul3A_15, %mul3A_16 : i32
    %multiple_of3A_18 = tpu.assume_multiple %mul3A_17, 8 : i32
    "tpu.region"() ({
      %run_scoped3A = tpu.sem_alloc : memref<!tpu.dma_semaphore, #tpu.memory_space<semaphore_mem>>
      %dma_start3A = tpu.memref_slice %arg4[%multiple_of3A_18] : memref<163840xf32, #tpu.memory_space<hbm>> -> memref<5120xf32, #tpu.memory_space<hbm>>
      %dma_start3A_19 = tpu.memref_slice %arg4[%multiple_of3A_18] : memref<163840xf32, #tpu.memory_space<hbm>> -> memref<5120xf32, #tpu.memory_space<hbm>>
      tpu.enqueue_dma source(%arg8 : memref<5120xf32, #tpu.memory_space<vmem>>) target(%dma_start3A_19 : memref<5120xf32, #tpu.memory_space<hbm>>) target_semaphore(%run_scoped3A : memref<!tpu.dma_semaphore, #tpu.memory_space<semaphore_mem>>)
      %dma_wait3A = tpu.memref_slice %arg4[%multiple_of3A_18] : memref<163840xf32, #tpu.memory_space<hbm>> -> memref<5120xf32, #tpu.memory_space<hbm>>
      %dma_wait3A_20 = tpu.memref_slice %arg4[%multiple_of3A_18] : memref<163840xf32, #tpu.memory_space<hbm>> -> memref<5120xf32, #tpu.memory_space<hbm>>
      tpu.wait_dma2 semaphore(%run_scoped3A : memref<!tpu.dma_semaphore, #tpu.memory_space<semaphore_mem>>) src(%arg8 : memref<5120xf32, #tpu.memory_space<vmem>>) dst(%dma_wait3A_20 : memref<5120xf32, #tpu.memory_space<hbm>>)
      tpu.yield
    }) : () -> ()
    return
  }
}

</mosaic_0001>

<sc_bundles>
// kernel: kernel.3.cloned.1.call-start
scs
__scs_entry_jumppad:
0x0: {  	(pc) =	sbr.rel $0x88, $3  }
0x1: {  	(tag) =	ssettag $0x0;
	lr =	simm.s32 $0x1  }
0x2: {  	[smem:$0x3F9F] =	sst lr;
	_ =	strace $0xD0000000  }
0x3: {  	_ = 	snop  }
0x4: {  	_ = 	snop  }
0x5: {  	_ = 	snop  }
0x6: {  	_ = 	snop  }
0x7: {  	_ = 	snop  }
__scs_overlays_trampoline_lowered:
0x8: {  	[smem:$0x3FAE] =	sst s0  }
0x9: {  	[smem:$0x3FAF] =	sst s1  }
0xa: {  	[smem:$0x3FB0] =	sst s2  }
0xb: {  	[smem:$0x3FB1] =	sst s3  }
0xc: {  	[smem:$0x3FB2] =	sst s4  }
0xd: {  	[smem:$0x3FB3] =	sst s5  }
0xe: {  	[smem:$0x3FB4] =	sst s6  }
0xf: {  	[smem:$0x3FB5] =	sst s7  }
0x10: {  	[smem:$0x3FB6] =	sst s8  }
0x11: {  	[smem:$0x3FB7] =	sst s9;
	s0 =	simm.s32 @!p0 $0x0  }
0x12: {  	s1 =	sld [smem:$0x3F9D];
	s0 =	simm.s32 @p0 $0x1  }
0x13: {  	[smem:$0x3FB8] =	sst s0;
	s0 =	simm.s32 @!p1 $0x0  }
0x14: {  	s2 =	sld [smem:$0x3F9C];
	s0 =	simm.s32 @p1 $0x1  }
0x15: {  	[smem:$0x3FB9] =	sst s0;
	s0 =	simm.s32 @!p2 $0x0  }
0x16: {  	s3 =	sld [smem:$0x3FDB];
	s0 =	simm.s32 @p2 $0x1  }
0x17: {  	s4 =	simm.s32 $0x1BF5;
	[smem:$0x3FBB] =	sst s0  }
0x18: {  	s0 =	sld [smem:$0x3F9E];
	_ =	swait.ge [sflag:s4], $0x0  }
0x19: {  	s7 =	sld [smem:$0x3F9F]  }
0x1a: {  	s8 =	sadd.s32 $0xFFFFE003, lr  }
0x1b: {  	s9 =	sadd.s32 $0xFFFFFEF7, lr;
	s5 =	simm.s32 $0xFFFFFFFF;
	p2 =	slt.u32 s8, $0xFFFFF086  }
0x1c: {  	p1 =	slt.u32 s9, $0xF7A;
	s5 =	simm.s32 @!p2 $0x0  }
0x1d: {  	s5 =	simm.s32 @p1 $0x1;
	p0 =	seq.s32 s7, s2  }
0x1e: {  	s7 =	smul.u32 @!p0 $0xF7A, s2;
	p2 =	seq.s32 @!p0 s5, $0x0  }
0x1f: {  	s9 =	smul.u32 $0xF7A, s1;
	s8 =	simm.s32 @!p0 $0x1BF5;
	p2 =	por !p2, p0  }
0x20: {  	[sflag:s8] =	ssyncset.s32 @!p0 $0xFFFFF086;
	s6 =	sadd.s32 @!p0 s3, s7;
	s7 =	simm.s32 @!p0 $0x108  }
0x21: {  	s3 =	sadd.s32 s3, s9;
	s6 =	sadd.s32 @!p0 $0x88, s6;
	s7 =	simm.s32 @p2 $0x1082  }
0x22: {  	[simem:s7], [sflag:s8] =	dma.local @!p0 [hbm:s6], $0xF7A  }
0x23: {  	s9 =	sor.u32 $0xD0000000, s2;
	s6 =	simm.s32 $0x108;
	_ =	swait.ge @!p0 [sflag:s8], $0x0  }
0x24: {  	s3 =	sadd.s32 $0x88, s3;
	s6 =	simm.s32 @!p1 $0x1082;
	[sflag:s4] =	ssyncset.s32 $0xFFFFF086  }
0x25: {  	[simem:s6], [sflag:s4] =	dma.local [hbm:s3], $0xF7A  }
0x26: {  	[smem:$0x3F9F] =	sst s1;
	(tag) =	ssettag s2;
	_ =	strace s9  }
0x27: {  	s1 =	sld [smem:$0x3FAF]  }
0x28: {  	s2 =	sld [smem:$0x3FB0]  }
0x29: {  	s4 =	sld [smem:$0x3FB2]  }
0x2a: {  	p0 =	seq.s32 s5, $0x0;
	s5 =	sld [smem:$0x3FB3]  }
0x2b: {  	s6 =	sld [smem:$0x3FB4]  }
0x2c: {  	s7 =	sld [smem:$0x3FB5]  }
0x2d: {  	s3 =	simm.s32 $0x108;
	s8 =	sld [smem:$0x3FB6]  }
0x2e: {  	s3 =	simm.s32 @!p0 $0x1082;
	s9 =	sld [smem:$0x3FB7]  }
0x2f: {  	lr =	sadd.s32 s0, s3;
	s0 =	sld [smem:$0x3FAE]  }
0x30: {  	s3 =	sld [smem:$0x3FB1]  }
0x31: {  	[smem:$0x3FBA] =	sst s10  }
0x32: {  	s10 =	sld [smem:$0x3FB8];
	_ =	sdelay $0x3  }
0x33: {  	p0 =	seq.s32 s10, $0x1;
	s10 =	sld [smem:$0x3FBA];
	_ =	sdelay $0x3  }
0x34: {  	[smem:$0x3FBA] =	sst s10  }
0x35: {  	s10 =	sld [smem:$0x3FB9];
	_ =	sdelay $0x3  }
0x36: {  	p1 =	seq.s32 s10, $0x1;
	s10 =	sld [smem:$0x3FBA];
	_ =	sdelay $0x3  }
0x37: {  	[smem:$0x3FBA] =	sst s10  }
0x38: {  	s10 =	sld [smem:$0x3FBB]  }
0x39: {  	_ = 	snop;
	(pc) =	sbr.ind lr, $3  }
0x3a: {  	_ = 	snop  }
0x3b: {  	_ = 	snop  }
0x3c: {  	p2 =	seq.s32 s10, $0x1;
	s10 =	sld [smem:$0x3FBA]  }
0x3d: {  	_ =	shalt  }
0x3e: {  	_ =	shalt  }
0x3f: {  	_ =	shalt  }
0x40: {  	_ =	shalt  }
0x41: {  	_ =	shalt  }
0x42: {  	_ =	shalt  }
0x43: {  	_ =	shalt  }
0x44: {  	_ =	shalt  }
0x45: {  	_ =	shalt  }
0x46: {  	_ =	shalt  }
0x47: {  	_ =	shalt  }
0x48: {  	_ =	shalt  }
0x49: {  	_ =	shalt  }
0x4a: {  	_ =	shalt  }
0x4b: {  	_ =	shalt  }
0x4c: {  	_ =	shalt  }
0x4d: {  	_ =	shalt  }
0x4e: {  	_ =	shalt  }
0x4f: {  	_ =	shalt  }
0x50: {  	_ =	shalt  }
0x51: {  	_ =	shalt  }
0x52: {  	_ =	shalt  }
0x53: {  	_ =	shalt  }
0x54: {  	_ =	shalt  }
0x55: {  	_ =	shalt  }
0x56: {  	_ =	shalt  }
0x57: {  	_ =	shalt  }
0x58: {  	_ =	shalt  }
0x59: {  	_ =	shalt  }
0x5a: {  	_ =	shalt  }
0x5b: {  	_ =	shalt  }
0x5c: {  	_ =	shalt  }
0x5d: {  	_ =	shalt  }
0x5e: {  	_ =	shalt  }
0x5f: {  	_ =	shalt  }
0x60: {  	_ =	shalt  }
0x61: {  	_ =	shalt  }
0x62: {  	_ =	shalt  }
0x63: {  	_ =	shalt  }
0x64: {  	_ =	shalt  }
0x65: {  	_ =	shalt  }
0x66: {  	_ =	shalt  }
0x67: {  	_ =	shalt  }
0x68: {  	_ =	shalt  }
0x69: {  	_ =	shalt  }
0x6a: {  	_ =	shalt  }
0x6b: {  	_ =	shalt  }
0x6c: {  	_ =	shalt  }
0x6d: {  	_ =	shalt  }
0x6e: {  	_ =	shalt  }
0x6f: {  	_ =	shalt  }
0x70: {  	_ =	shalt  }
0x71: {  	_ =	shalt  }
0x72: {  	_ =	shalt  }
0x73: {  	_ =	shalt  }
0x74: {  	_ =	shalt  }
0x75: {  	_ =	shalt  }
0x76: {  	_ =	shalt  }
0x77: {  	_ =	shalt  }
0x78: {  	_ =	shalt  }
0x79: {  	_ =	shalt  }
0x7a: {  	_ =	shalt  }
0x7b: {  	_ =	shalt  }
0x7c: {  	_ =	shalt  }
0x7d: {  	_ =	shalt  }
0x7e: {  	_ =	shalt  }
0x7f: {  	_ =	shalt  }
0x80: {  	_ =	shalt  }
0x81: {  	_ =	shalt  }
0x82: {  	_ =	shalt  }
0x83: {  	_ =	shalt  }
0x84: {  	_ =	shalt  }
0x85: {  	_ =	shalt  }
0x86: {  	_ =	shalt  }
0x87: {  	_ =	shalt  }
.Lfunc_end0:
.L_simem_size_0:
called_computation_lowered:
.L_overlay_start_0:
0x88: {  	s2 =	sld [smem:$0x3FD9]  }
0x89: {  	s3 =	sld [smem:$0x3FFE];
	_ =	sdelay $0x1  }
0x8a: {  	s1 =	srdreg.scid  }
0x8b: {  	s0 =	sand.u32 $0x1, s1  }
0x8c: {  	s17 =	sshll.u32 s0, $0xA;
	s2 =	sadd.s32 s3, s2  }
0x8d: {  	s2 =	sadd.s32 s2, s17  }
0x8e: {  	[smem:$0x3FC6] =	sst s2  }
0x8f: {  	_ = 	snop  }
0x90: {  	s2 =	sld [smem:$0x3FD0];
	(tm) =	ssettm $0x1  }
0x91: {  	s18 =	sld [smem:$0x3FFB];
	_ =	sdelay $0x3  }
0x92: {  	_ =	strace s18  }
0x93: {  	s3 =	sld [smem:$0x3FFC];
	_ =	sdelay $0x3  }
0x94: {  	_ =	strace s3  }
0x95: {  	s3 =	sld [smem:$0x3FFD];
	_ =	sdelay $0x3  }
0x96: {  	_ =	strace s3  }
0x97: {  	_ =	strace $0x8FFFFFFF  }
0x98: {  	s19 =	sld [smem:$0x3FDB];
	_ =	sdelay $0x1  }
0x99: {  	s4 =	simm.s32 $_scs_section_size  }
0x9a: {  	s5 =	simm.s32 $_size__tile_overlayer_lowered;
	s6 =	simm.s32 $_tile_overlayer_lowered  }
0x9b: {  	s22 =	simm.s32 $0x1BFF;
	s21 =	sshll.u32 s6, $0x1;
	s3 =	sadd.s32 s4, s19  }
0x9c: {  	s7 =	simm.s32 $0x0;
	s20 =	sshll.u32 s5, $0x1;
	s5 =	sadd.s32 s21, s3  }
0x9d: {  	[timem:s7], [sflag:s22] =	dma.local [hbm:s5], s20  }
0x9e: {  	_ =	swait.ge [sflag:s22], s20  }
0x9f: {  	s4 =	ssub.s32 $0x0, s20;
	[sflag:s22] =	ssyncset.done $0x0  }
0xa0: {  	[sflag:s22] =	ssyncadd.s32 s4;
	_ =	sdelay $0x1  }
0xa1: {  	s23 =	simm.s32 $0x1B8B  }
0xa2: {  	_ =	swait.ge [sflag:s23], $0x1  }
0xa3: {  	[sflag:s23] =	ssyncset.done $0x0  }
0xa4: {  	s25 =	simm.s32 $0x1B8E;
	s24 =	sld [smem:$0x3FFE];
	[sflag:s23] =	ssyncadd.s32 $0xFFFFFFFF  }
0xa5: {  	s26 =	simm.s32 $execute0_lowered;
	[smem:$0x3FD2] =	sst s25  }
0xa6: {  	s5 =	sshll.u32 s26, $0x1;
	_ =	strace $0x80000046;
	[dreg:$0x1] =	wrdreg $0xFFFFFFFF  }
0xa7: {  	s28 =	simm.s32 $_size_execute0_lowered;
	s3 =	sadd.s32 s3, s5;
	[dreg:$0x0] =	wrdreg $0x0  }
0xa8: {  	s5 =	sshll.u32 s28, $0x1;
	[dreg:$0x2] =	wrdreg s3  }
0xa9: {  	[dreg:$0x3] =	wrdreg s5  }
0xaa: {  	[dreg:$0x4] =	wrdreg $0xC0  }
0xab: {  	_ =	task [dreg:s7], $0x5FFFF  }
0xac: {  	[dreg:$0x1] =	wrdreg $0xFFFFFFFF  }
0xad: {  	[dreg:$0x0] =	wrdreg $0x60  }
0xae: {  	[dreg:$0x2] =	wrdreg s24  }
0xaf: {  	[dreg:$0x3] =	wrdreg s2  }
0xb0: {  	[dreg:$0x4] =	wrdreg $0x9  }
0xb1: {  	_ =	task.clear_ibuf [dreg:s7], $0x5FFFF;
	_ =	strace $0x90000046  }
0xb2: {  	s29 =	simm.s32 $0x9;
	_ =	strace $0x80000048  }
0xb3: {  	_ =	swait.ge [sflag:s29], $0x1  }
0xb4: {  	[sflag:s29] =	ssyncadd.s32 $0xFFFFFFFF  }
0xb5: {  	_ =	strace $0x90000048  }
0xb6: {  	_ =	sfence  }
0xb7: {  	s30 =	sld [smem:$0x0];
	_ =	sdelay $0x2  }
0xb8: {  	s31 =	sshll.u32 s1, $0xD;
	s1 =	sshrl.u32 s1, $0x2  }
0xb9: {  	s3 =	sand.u32 $0x4000, s31;
	s1 =	sadd.s32 s1, s30  }
0xba: {  	s0 =	sor.u32 s3, s0;
	s1 =	sshll.u32 s1, $0x11  }
0xbb: {  	s0 =	sor.u32 s1, s0  }
0xbc: {  	s0 =	sadd.s32 $0x8F2B, s0  }
0xbd: {  	[sflag:s0] =	ssyncadd.remote.s32 $0x1  }
0xbe: {  	_ =	sfence.sel $0xFFFF  }
0xbf: {  	[dreg:$0x0] =	wrdreg $0xFFFFFFFF;
	(pc) =	sbr.abs _section_cstart, $3  }
0xc0: {  	[dreg:$0x1] =	wrdreg $0xFFFFFFFF  }
0xc1: {  	_ =	task.clear_ibuf [dreg:s7], $0x2FFFF;
	_ =	strace $0x9FFFFFFF  }
0xc2: {  	(tm) =	ssettm $0x7FFFFFFF  }
0xc3: {  	_ =	shalt  }
tec
execute0_lowered:
.L_overlay_start_1:
0x0: {  	(tag) =	ssettag $0x1  }
0x1: {  	s3 =	rddreg [dreg:$0x0];
	s1 =	srdreg.scid  }
0x2: {  	s0 =	stileid.u32;
	s5 =	rddreg [dreg:$0x1];
	s2 =	simm.s32 $0x0  }
0x3: {  	v0 =	vimm.s32 $0x0;
	v1 =	vlaneseq.u32;
	v4 =	vimm.s32 $0x1;
	s9 =	simm.s32 $0x19080;
	s4 =	sand.u32 $0x1, s1;
	s6 =	sshll.u32 s0, $0x1  }
0x4: {  	v42 =	vimm.s32 $0x61;
	v43 =	vimm.s32 $0x62;
	v44 =	vimm.s32 $0x63;
	s10 =	simm.s32 $0x1B480;
	s11 =	simm.s32 $0x0;
	s6 =	sor.u32 s4, s6  }
0x5: {  	v45 =	vimm.s32 $0x64;
	v46 =	vimm.s32 $0x65;
	v47 =	vimm.s32 $0x66;
	s1 =	rddreg [dreg:$0x2];
	s4 =	ssub.s32 $0x2, s4;
	s7 =	smul.u32 $0x3200, s6  }
0x6: {  	v49 =	vimm.s32 $0x67;
	v50 =	vimm.s32 $0x68;
	v2 =	vmul.u32 $0x11, v1;
	[smem:$0x7FF] =	sst s2;
	s6 =	smul.u32 $0x280, s6;
	s8 =	sshrl.u32 s4, $0x1  }
0x7: {  	v51 =	vimm.s32 $0x69;
	v52 =	vimm.s32 $0x6A;
	v53 =	vimm.s32 $0x6B;
	_ =	strace $0x80000047;
	s8 =	ssub.s32 s4, s8;
	s7 =	sadd.s32 s7, s3  }
0x8: {  	v3 =	vmul.u32 $0xC8, v1;
	v15 =	vadd.s32 $0x1, v2;
	v26 =	vadd.s32 $0x2, v2;
	s3 =	sadd.s32 $0x64600, s3;
	s5 =	sadd.s32 s5, s6;
	s6 =	smax.u32 s8, $0x1  }
0x9: {  	v37 =	vadd.s32 $0x3, v2;
	v48 =	vadd.s32 $0x4, v2;
	v59 =	vadd.s32 $0x5, v2;
	s8 =	simm.s32 $0x19000;
	s4 =	sadd.s32 $0x600, s7;
	s7 =	simm.s32 $0x1  }
.LBB2_1:
0xa: {  	[tilespmem:s2], [sflag:$0x1] =	stream.linear.gather [hbm4b:s4+s2], $0x19000, $0x38;
	[tilespmem:$0x1C880] =	vst v63  }
0xb: {  	_ =	swait.ge [sflag:s7], $0x19000  }
0xc: {  	[sflag:s7] =	ssyncset.done $0x0  }
0xd: {  	[sflag:s7] =	ssyncadd.s32 $0xFFFE7000  }
0xe: {  	[tilespmem:s8], [sflag:$0x1] =	stream.linear.gather [hbm4b:s3+s2], $0x80, $0x38;
	[tilespmem:$0x1C880] =	vst v63  }
0xf: {  	_ =	swait.ge [sflag:s7], $0x80  }
0x10: {  	[sflag:s7] =	ssyncset.done $0x0  }
0x11: {  	s12 =	simm.s32 $0x0;
	[sflag:s7] =	ssyncadd.s32 $0xFFFFFF80  }
.LBB2_2:
0x12: {  	s13 =	smul.u32 $0x120, s12;
	_ =	sdelay $0x1  }
0x13: {  	[tilespmem:s13+$0x19080] =	vst v0  }
0x14: {  	[tilespmem:s13+$0x19090] =	vst v0  }
0x15: {  	[tilespmem:s13+$0x190A0] =	vst v0  }
0x16: {  	[tilespmem:s13+$0x190B0] =	vst v0  }
0x17: {  	[tilespmem:s13+$0x190C0] =	vst v0  }
0x18: {  	[tilespmem:s13+$0x190D0] =	vst v0  }
0x19: {  	[tilespmem:s13+$0x190E0] =	vst v0  }
0x1a: {  	[tilespmem:s13+$0x190F0] =	vst v0;
	s14 =	sand.u32 $0x3FE0, s13  }
0x1b: {  	[tilespmem:s14+$0x19100] =	vst v0  }
0x1c: {  	[tilespmem:s13+$0x19110] =	vst v0  }
0x1d: {  	s15 =	smul.u32 $0xC80, s12;
	[tilespmem:s13+$0x19120] =	vst v0  }
0x1e: {  	[tilespmem:s13+$0x19130] =	vst v0  }
0x1f: {  	s28 =	simm.s32 $0x0;
	v55 =	vadd.s32 s15, v3;
	[tilespmem:s13+$0x19140] =	vst v0  }
0x20: {  	s29 =	simm.s32 $0x1;
	v1 =	vadd.s32 s28, v55;
	[tilespmem:s13+$0x19150] =	vst v0  }
0x21: {  	s30 =	simm.s32 $0x2;
	v5 =	vadd.s32 s29, v55;
	[tilespmem:s13+$0x19160] =	vst v0  }
0x22: {  	s31 =	simm.s32 $0x3;
	v6 =	vadd.s32 s30, v55;
	[tilespmem:s13+$0x19170] =	vst v0  }
0x23: {  	s15 =	simm.s32 $0x4;
	v7 =	vadd.s32 s31, v55;
	[tilespmem:s14+$0x19180] =	vst v0  }
0x24: {  	s16 =	simm.s32 $0x5;
	v8 =	vadd.s32 s15, v55;
	[tilespmem:s13+$0x19190] =	vst v0  }
0x25: {  	s17 =	simm.s32 $0x6;
	v9 =	vadd.s32 s16, v55;
	v1 =	vld.idx.msk [tilespmem:v1+s2+$0x0], $0xffff  }
0x26: {  	s18 =	simm.s32 $0x7;
	v10 =	vld.idx.msk [tilespmem:v5+s2+$0x0], $0xffff;
	v5 =	vadd.s32 s17, v55  }
0x27: {  	s19 =	simm.s32 $0x8;
	v11 =	vld.idx.msk [tilespmem:v6+s2+$0x0], $0xffff;
	v6 =	vadd.s32 s18, v55  }
0x28: {  	s20 =	simm.s32 $0x9;
	v12 =	vld.idx.msk [tilespmem:v7+s2+$0x0], $0xffff;
	v7 =	vadd.s32 s19, v55  }
0x29: {  	s21 =	simm.s32 $0xA;
	v13 =	vld.idx.msk [tilespmem:v8+s2+$0x0], $0xffff;
	v8 =	vadd.s32 s20, v55  }
0x2a: {  	s31 =	simm.s32 $0x13;
	v14 =	vld.idx.msk [tilespmem:v9+s2+$0x0], $0xffff;
	v9 =	vadd.s32 s21, v55  }
0x2b: {  	s22 =	simm.s32 $0xB;
	v20 =	vadd.s32 s31, v55;
	v16 =	vld.idx.msk [tilespmem:v5+s2+$0x0], $0xffff  }
0x2c: {  	s23 =	simm.s32 $0xC;
	v5 =	vadd.s32 s22, v55;
	v17 =	vld.idx.msk [tilespmem:v6+s2+$0x0], $0xffff  }
0x2d: {  	s24 =	simm.s32 $0xD;
	v6 =	vadd.s32 s23, v55;
	v57 =	vld.idx.msk [tilespmem:v7+s2+$0x0], $0xffff  }
0x2e: {  	s25 =	simm.s32 $0xE;
	v7 =	vadd.s32 s24, v55;
	v58 =	vld.idx.msk [tilespmem:v8+s2+$0x0], $0xffff  }
0x2f: {  	s26 =	simm.s32 $0xF;
	v56 =	vadd.s32 s13, v2;
	v8 =	vadd.s32 s25, v55;
	v60 =	vld.idx.msk [tilespmem:v9+s2+$0x0], $0xffff  }
0x30: {  	s28 =	simm.s32 $0x10;
	v9 =	vadd.s32 s26, v55;
	v21 =	vadd.s32 v56, v1;
	v1 =	vld.idx.msk [tilespmem:v20+s2+$0x0], $0xffff  }
0x31: {  	s29 =	simm.s32 $0x11;
	v54 =	vadd.s32 s28, v55;
	v61 =	vld.idx.msk [tilespmem:v5+s2+$0x0], $0xffff  }
0x32: {  	s30 =	simm.s32 $0x12;
	v18 =	vadd.s32 s29, v55;
	v62 =	vld.idx.msk [tilespmem:v6+s2+$0x0], $0xffff  }
0x33: {  	v19 =	vadd.s32 s30, v55;
	v63 =	vld.idx.msk [tilespmem:v7+s2+$0x0], $0xffff  }
0x34: {  	v5 =	vld.idx.msk [tilespmem:v8+s2+$0x0], $0xffff  }
0x35: {  	v40 =	vadd.s32 v56, v10;
	v6 =	vld.idx.msk [tilespmem:v9+s2+$0x0], $0xffff  }
0x36: {  	v41 =	vadd.s32 v56, v11;
	v7 =	vld.idx.msk [tilespmem:v54+s2+$0x0], $0xffff  }
0x37: {  	v11 =	vadd.s32 v56, v12;
	v8 =	vld.idx.msk [tilespmem:v18+s2+$0x0], $0xffff  }
0x38: {  	v12 =	vadd.s32 v56, v13;
	v9 =	vld.idx.msk [tilespmem:v19+s2+$0x0], $0xffff  }
0x39: {  	v10 =	vadd.s32 v56, v14;
	[tilespmem:v21+s9+$0x0] =	vst.idx.add.s32.msk $0xffff, v4  }
0x3a: {  	v13 =	vadd.s32 v56, v16;
	[tilespmem:v40+s9+$0x0] =	vst.idx.add.s32.msk $0xffff, v4  }
0x3b: {  	v54 =	vmov s13;
	v14 =	vadd.s32 v56, v17;
	s13 =	simm.s32 $0x14;
	[tilespmem:v41+s9+$0x0] =	vst.idx.add.s32.msk $0xffff, v4  }
.LBB2_3:
0x3c: {  	p0 =	slt.u32 s13, $0xB4;
	[tilespmem:v11+s9+$0x0] =	vst.idx.add.s32.msk $0xffff, v4;
	v11 =	vadd.s32 v56, v57  }
0x3d: {  	[tilespmem:v12+s9+$0x0] =	vst.idx.add.s32.msk $0xffff, v4;
	v12 =	vadd.s32 v56, v58  }
0x3e: {  	[tilespmem:v10+s9+$0x0] =	vst.idx.add.s32.msk $0xffff, v4;
	v10 =	vadd.s32 v56, v60  }
0x3f: {  	[tilespmem:v13+s9+$0x0] =	vst.idx.add.s32.msk $0xffff, v4;
	v13 =	vadd.s32 v56, v61  }
0x40: {  	[tilespmem:v14+s9+$0x0] =	vst.idx.add.s32.msk $0xffff, v4;
	v14 =	vadd.s32 v56, v62  }
0x41: {  	[tilespmem:v11+s9+$0x0] =	vst.idx.add.s32.msk $0xffff, v4;
	v11 =	vadd.s32 v56, v63  }
0x42: {  	v5 =	vadd.s32 v56, v5;
	[tilespmem:v12+s9+$0x0] =	vst.idx.add.s32.msk $0xffff, v4  }
0x43: {  	v6 =	vadd.s32 v56, v6;
	[tilespmem:v10+s9+$0x0] =	vst.idx.add.s32.msk $0xffff, v4  }
0x44: {  	v7 =	vadd.s32 v56, v7;
	[tilespmem:v13+s9+$0x0] =	vst.idx.add.s32.msk $0xffff, v4  }
0x45: {  	v8 =	vadd.s32 v56, v8;
	[tilespmem:v14+s9+$0x0] =	vst.idx.add.s32.msk $0xffff, v4  }
0x46: {  	v9 =	vadd.s32 v56, v9;
	[tilespmem:v11+s9+$0x0] =	vst.idx.add.s32.msk $0xffff, v4  }
0x47: {  	v1 =	vadd.s32 v56, v1;
	[tilespmem:v5+s9+$0x0] =	vst.idx.add.s32.msk $0xffff, v4  }
0x48: {  	s14 =	sadd.s32 $0x1, s13;
	v5 =	vadd.s32 s13, v55;
	[tilespmem:v6+s9+$0x0] =	vst.idx.add.s32.msk $0xffff, v4  }
0x49: {  	v6 =	vadd.s32 s14, v55;
	s14 =	sadd.s32 $0x2, s13;
	[tilespmem:v7+s9+$0x0] =	vst.idx.add.s32.msk $0xffff, v4  }
0x4a: {  	v7 =	vadd.s32 s14, v55;
	s14 =	sadd.s32 $0x3, s13;
	[tilespmem:v8+s9+$0x0] =	vst.idx.add.s32.msk $0xffff, v4  }
0x4b: {  	v8 =	vadd.s32 s14, v55;
	s14 =	sadd.s32 $0x4, s13;
	[tilespmem:v9+s9+$0x0] =	vst.idx.add.s32.msk $0xffff, v4  }
0x4c: {  	v9 =	vadd.s32 s14, v55;
	s14 =	sadd.s32 $0x5, s13;
	[tilespmem:v1+s9+$0x0] =	vst.idx.add.s32.msk $0xffff, v4  }
0x4d: {  	v1 =	vld.idx.msk [tilespmem:v5+s2+$0x0], $0xffff;
	v5 =	vadd.s32 s14, v55;
	s14 =	sadd.s32 $0x6, s13  }
0x4e: {  	v10 =	vld.idx.msk [tilespmem:v6+s2+$0x0], $0xffff;
	v6 =	vadd.s32 s14, v55;
	s14 =	sadd.s32 $0x7, s13  }
0x4f: {  	v11 =	vld.idx.msk [tilespmem:v7+s2+$0x0], $0xffff;
	v7 =	vadd.s32 s14, v55;
	s14 =	sadd.s32 $0x8, s13  }
0x50: {  	v12 =	vld.idx.msk [tilespmem:v8+s2+$0x0], $0xffff;
	v8 =	vadd.s32 s14, v55;
	s14 =	sadd.s32 $0x9, s13  }
0x51: {  	v13 =	vld.idx.msk [tilespmem:v9+s2+$0x0], $0xffff;
	v9 =	vadd.s32 s14, v55;
	s14 =	sadd.s32 $0xA, s13  }
0x52: {  	v14 =	vld.idx.msk [tilespmem:v5+s2+$0x0], $0xffff;
	v5 =	vadd.s32 s14, v55;
	s14 =	sadd.s32 $0xB, s13  }
0x53: {  	v16 =	vld.idx.msk [tilespmem:v6+s2+$0x0], $0xffff;
	v6 =	vadd.s32 s14, v55;
	s14 =	sadd.s32 $0xC, s13  }
0x54: {  	v17 =	vld.idx.msk [tilespmem:v7+s2+$0x0], $0xffff;
	v7 =	vadd.s32 s14, v55;
	s14 =	sadd.s32 $0xD, s13  }
0x55: {  	v57 =	vld.idx.msk [tilespmem:v8+s2+$0x0], $0xffff;
	v8 =	vadd.s32 s14, v55;
	s14 =	sadd.s32 $0xE, s13  }
0x56: {  	v58 =	vld.idx.msk [tilespmem:v9+s2+$0x0], $0xffff;
	v9 =	vadd.s32 s14, v55;
	s14 =	sadd.s32 $0xF, s13  }
0x57: {  	v60 =	vld.idx.msk [tilespmem:v5+s2+$0x0], $0xffff;
	v18 =	vadd.s32 s14, v55;
	s14 =	sadd.s32 $0x10, s13  }
0x58: {  	v61 =	vld.idx.msk [tilespmem:v6+s2+$0x0], $0xffff;
	v19 =	vadd.s32 s14, v55;
	s14 =	sadd.s32 $0x11, s13  }
0x59: {  	v62 =	vld.idx.msk [tilespmem:v7+s2+$0x0], $0xffff;
	v20 =	vadd.s32 s14, v55;
	s14 =	sadd.s32 $0x12, s13  }
0x5a: {  	v63 =	vld.idx.msk [tilespmem:v8+s2+$0x0], $0xffff;
	v21 =	vadd.s32 s14, v55;
	s14 =	sadd.s32 $0x13, s13  }
0x5b: {  	v5 =	vld.idx.msk [tilespmem:v9+s2+$0x0], $0xffff;
	v22 =	vadd.s32 s14, v55  }
0x5c: {  	v6 =	vld.idx.msk [tilespmem:v18+s2+$0x0], $0xffff;
	v18 =	vadd.s32 v56, v1  }
0x5d: {  	v7 =	vld.idx.msk [tilespmem:v19+s2+$0x0], $0xffff;
	v19 =	vadd.s32 v56, v10  }
0x5e: {  	v8 =	vld.idx.msk [tilespmem:v20+s2+$0x0], $0xffff;
	v20 =	vadd.s32 v56, v11  }
.Ltmp0:
0x5f: {  	v11 =	vadd.s32 v56, v12;
	v9 =	vld.idx.msk [tilespmem:v21+s2+$0x0], $0xffff;
	(pc) =	sbr.rel @p0 .LBB2_3-.Ltmp0, $4  }
0x60: {  	v12 =	vadd.s32 v56, v13;
	v1 =	vld.idx.msk [tilespmem:v22+s2+$0x0], $0xffff  }
0x61: {  	v10 =	vadd.s32 v56, v14;
	[tilespmem:v18+s9+$0x0] =	vst.idx.add.s32.msk $0xffff, v4  }
0x62: {  	v13 =	vadd.s32 v56, v16;
	[tilespmem:v19+s9+$0x0] =	vst.idx.add.s32.msk $0xffff, v4  }
0x63: {  	s13 =	sadd.s32 $0x14, s13;
	v14 =	vadd.s32 v56, v17;
	[tilespmem:v20+s9+$0x0] =	vst.idx.add.s32.msk $0xffff, v4  }
0x64: {  	_ =	sdelay $0x3  }
0x65: {  	[tilespmem:v11+s9+$0x0] =	vst.idx.add.s32.msk $0xffff, v4;
	v23 =	vadd.s32 v56, v57  }
0x66: {  	[tilespmem:v12+s9+$0x0] =	vst.idx.add.s32.msk $0xffff, v4;
	v12 =	vadd.s32 v56, v58  }
0x67: {  	v28 =	vadd.s32 v56, v60;
	[tilespmem:v10+s9+$0x0] =	vst.idx.add.s32.msk $0xffff, v4  }
0x68: {  	[tilespmem:v13+s9+$0x0] =	vst.idx.add.s32.msk $0xffff, v4;
	v13 =	vadd.s32 v56, v61  }
0x69: {  	[tilespmem:v14+s9+$0x0] =	vst.idx.add.s32.msk $0xffff, v4;
	v14 =	vadd.s32 v56, v62  }
0x6a: {  	v29 =	vadd.s32 v56, v63;
	[tilespmem:v23+s9+$0x0] =	vst.idx.add.s32.msk $0xffff, v4  }
0x6b: {  	v5 =	vadd.s32 v56, v5;
	[tilespmem:v12+s9+$0x0] =	vst.idx.add.s32.msk $0xffff, v4  }
0x6c: {  	v6 =	vadd.s32 v56, v6;
	[tilespmem:v28+s9+$0x0] =	vst.idx.add.s32.msk $0xffff, v4  }
0x6d: {  	v7 =	vadd.s32 v56, v7;
	[tilespmem:v13+s9+$0x0] =	vst.idx.add.s32.msk $0xffff, v4  }
0x6e: {  	v8 =	vadd.s32 v56, v8;
	[tilespmem:v14+s9+$0x0] =	vst.idx.add.s32.msk $0xffff, v4  }
0x6f: {  	v9 =	vadd.s32 v56, v9;
	[tilespmem:v29+s9+$0x0] =	vst.idx.add.s32.msk $0xffff, v4  }
0x70: {  	v1 =	vadd.s32 v56, v1;
	[tilespmem:v5+s9+$0x0] =	vst.idx.add.s32.msk $0xffff, v4  }
0x71: {  	[tilespmem:v6+s9+$0x0] =	vst.idx.add.s32.msk $0xffff, v4  }
0x72: {  	v5 =	vimm.s32 $0x8;
	[tilespmem:v7+s9+$0x0] =	vst.idx.add.s32.msk $0xffff, v4  }
0x73: {  	v6 =	vimm.s32 $0x9;
	[tilespmem:v8+s9+$0x0] =	vst.idx.add.s32.msk $0xffff, v4  }
0x74: {  	v30 =	vimm.s32 $0xB;
	[tilespmem:v9+s9+$0x0] =	vst.idx.add.s32.msk $0xffff, v4  }
0x75: {  	v31 =	vimm.s32 $0xC;
	[tilespmem:v1+s9+$0x0] =	vst.idx.add.s32.msk $0xffff, v4  }
0x76: {  	v32 =	vimm.s32 $0xD;
	v1 =	vld.idx.msk [tilespmem:v56+s9+$0x0], $0xffff  }
0x77: {  	v12 =	vimm.s32 $0xE;
	v5 =	vld.idx.msk [tilespmem:v5+s8+$0x0], $0xffff  }
0x78: {  	v13 =	vimm.s32 $0xF;
	v6 =	vld.idx.msk [tilespmem:v6+s8+$0x0], $0xffff  }
0x79: {  	v14 =	vimm.s32 $0x10;
	v8 =	vld.idx.msk [tilespmem:v30+s8+$0x0], $0xffff  }
0x7a: {  	v16 =	vimm.s32 $0x11;
	v9 =	vld.idx.msk [tilespmem:v31+s8+$0x0], $0xffff  }
0x7b: {  	v33 =	vadd.s32 v15, v54;
	v10 =	vld.idx.msk [tilespmem:v32+s8+$0x0], $0xffff  }
0x7c: {  	v17 =	vimm.s32 $0x12;
	v12 =	vld.idx.msk [tilespmem:v12+s8+$0x0], $0xffff  }
0x7d: {  	v18 =	vimm.s32 $0x13;
	v13 =	vld.idx.msk [tilespmem:v13+s8+$0x0], $0xffff  }
0x7e: {  	v19 =	vimm.s32 $0x14;
	v14 =	vld.idx.msk [tilespmem:v14+s8+$0x0], $0xffff  }
0x7f: {  	v20 =	vimm.s32 $0x15;
	v16 =	vld.idx.msk [tilespmem:v16+s8+$0x0], $0xffff  }
0x80: {  	v21 =	vimm.s32 $0x16;
	v11 =	vld.idx.msk [tilespmem:v33+s9+$0x0], $0xffff  }
0x81: {  	v22 =	vimm.s32 $0x17;
	v17 =	vld.idx.msk [tilespmem:v17+s8+$0x0], $0xffff  }
0x82: {  	v7 =	vimm.s32 $0xA;
	v18 =	vld.idx.msk [tilespmem:v18+s8+$0x0], $0xffff  }
0x83: {  	v55 =	vadd.s32 v26, v54;
	v23 =	vimm.s32 $0x18;
	v19 =	vld.idx.msk [tilespmem:v19+s8+$0x0], $0xffff  }
0x84: {  	v34 =	vimm.s32 $0x19;
	v35 =	vimm.s32 $0x1A;
	v36 =	vimm.s32 $0x1B;
	v20 =	vld.idx.msk [tilespmem:v20+s8+$0x0], $0xffff  }
0x85: {  	v38 =	vimm.s32 $0x1C;
	v39 =	vimm.s32 $0x1D;
	v40 =	vimm.s32 $0x1E;
	v21 =	vld.idx.msk [tilespmem:v21+s8+$0x0], $0xffff  }
0x86: {  	v41 =	vimm.s32 $0x1F;
	v24 =	vimm.s32 $0x20;
	v25 =	vimm.s32 $0x21;
	v22 =	vld.idx.msk [tilespmem:v22+s8+$0x0], $0xffff  }
0x87: {  	v27 =	vadd.s32 v37, v54;
	v28 =	vimm.s32 $0x22;
	v7 =	vld.idx.msk [tilespmem:v7+s8+$0x0], $0xffff;
	v1 =	vcvt.s32.f32 v1  }
0x88: {  	v29 =	vimm.s32 $0x23;
	v56 =	vld.idx.msk [tilespmem:v23+s8+$0x0], $0xffff;
	v30 =	vimm.s32 $0x24;
	v31 =	vimm.s32 $0x25  }
0x89: {  	v57 =	vld.idx.msk [tilespmem:v34+s8+$0x0], $0xffff;
	v32 =	vimm.s32 $0x26;
	v11 =	vcvt.s32.f32 v11;
	v1 =	vmul.f32 $4.999999890e-03, v1  }
0x8a: {  	v58 =	vld.idx.msk [tilespmem:v35+s8+$0x0], $0xffff;
	v33 =	vimm.s32 $0x27;
	v34 =	vimm.s32 $0x28;
	v35 =	vimm.s32 $0x29  }
0x8b: {  	v60 =	vld.idx.msk [tilespmem:v36+s8+$0x0], $0xffff;
	v36 =	vimm.s32 $0x2A;
	v11 =	vmul.f32 $4.999999890e-03, v11;
	v5 =	vmul.f32 v1, v5  }
0x8c: {  	v61 =	vld.idx.msk [tilespmem:v38+s8+$0x0], $0xffff;
	v38 =	vimm.s32 $0x2B;
	v6 =	vmul.f32 v6, v1;
	v7 =	vmul.f32 v7, v1  }
0x8d: {  	v62 =	vld.idx.msk [tilespmem:v39+s8+$0x0], $0xffff;
	v39 =	vadd.s32 v48, v54;
	v8 =	vmul.f32 v8, v1;
	v10 =	vmul.f32 v10, v1  }
0x8e: {  	v55 =	vld.idx.msk [tilespmem:v55+s9+$0x0], $0xffff;
	v12 =	vmul.f32 v12, v1;
	v17 =	vmul.f32 v11, v17;
	v5 =	vadd.f32 $0.0e+00, v5  }
0x8f: {  	v63 =	vld.idx.msk [tilespmem:v40+s8+$0x0], $0xffff;
	v19 =	vmul.f32 v19, v11;
	v6 =	vadd.f32 $0.0e+00, v6;
	v7 =	vadd.f32 $0.0e+00, v7  }
0x90: {  	v23 =	vld.idx.msk [tilespmem:v41+s8+$0x0], $0xffff;
	v10 =	vadd.f32 $0.0e+00, v10;
	v5 =	vadd.f32 v17, v5;
	v17 =	vmul.f32 v18, v11  }
0x91: {  	v24 =	vld.idx.msk [tilespmem:v24+s8+$0x0], $0xffff;
	v7 =	vadd.f32 v19, v7;
	v19 =	vmul.f32 v21, v11;
	v21 =	vmul.f32 v22, v11  }
0x92: {  	v25 =	vld.idx.msk [tilespmem:v25+s8+$0x0], $0xffff;
	v8 =	vadd.f32 $0.0e+00, v8;
	v6 =	vadd.f32 v17, v6;
	v17 =	vmul.f32 v20, v11  }
0x93: {  	v28 =	vld.idx.msk [tilespmem:v28+s8+$0x0], $0xffff;
	v9 =	vmul.f32 v9, v1;
	v10 =	vadd.f32 v21, v10;
	v21 =	vimm.s32 $0x33  }
0x94: {  	v27 =	vld.idx.msk [tilespmem:v27+s9+$0x0], $0xffff;
	v12 =	vadd.f32 $0.0e+00, v12;
	v8 =	vadd.f32 v17, v8;
	v17 =	vmul.f32 v56, v11  }
0x95: {  	v29 =	vld.idx.msk [tilespmem:v29+s8+$0x0], $0xffff;
	v55 =	vcvt.s32.f32 v55;
	v13 =	vmul.f32 v13, v1;
	v9 =	vadd.f32 $0.0e+00, v9  }
0x96: {  	v30 =	vld.idx.msk [tilespmem:v30+s8+$0x0], $0xffff;
	v12 =	vadd.f32 v17, v12;
	v17 =	vmul.f32 v57, v11;
	v57 =	vimm.s32 $0x34  }
0x97: {  	v40 =	vimm.s32 $0x2C;
	v31 =	vld.idx.msk [tilespmem:v31+s8+$0x0], $0xffff;
	v14 =	vmul.f32 v14, v1;
	v1 =	vmul.f32 v16, v1  }
0x98: {  	v13 =	vadd.f32 $0.0e+00, v13;
	v9 =	vadd.f32 v19, v9;
	v19 =	vld.idx.msk [tilespmem:v21+s8+$0x0], $0xffff;
	v21 =	vmul.f32 $4.999999890e-03, v55  }
0x99: {  	v41 =	vimm.s32 $0x2D;
	v32 =	vld.idx.msk [tilespmem:v32+s8+$0x0], $0xffff;
	v27 =	vcvt.s32.f32 v27;
	v1 =	vadd.f32 $0.0e+00, v1  }
0x9a: {  	v33 =	vld.idx.msk [tilespmem:v33+s8+$0x0], $0xffff;
	v13 =	vadd.f32 v17, v13;
	v17 =	vmul.f32 v21, v61;
	v61 =	vmul.f32 v62, v21  }
0x9b: {  	v55 =	vld.idx.msk [tilespmem:v57+s8+$0x0], $0xffff;
	v57 =	vmul.f32 v58, v11;
	v11 =	vmul.f32 v60, v11;
	v60 =	vimm.s32 $0x35  }
0x9c: {  	v34 =	vld.idx.msk [tilespmem:v34+s8+$0x0], $0xffff;
	v16 =	vimm.s32 $0x2E;
	v6 =	vadd.f32 v61, v6;
	v61 =	vimm.s32 $0x38  }
0x9d: {  	v35 =	vld.idx.msk [tilespmem:v35+s8+$0x0], $0xffff;
	v1 =	vadd.f32 v11, v1;
	v11 =	vmul.f32 v63, v21;
	v63 =	vimm.s32 $0x37  }
0x9e: {  	v36 =	vld.idx.msk [tilespmem:v36+s8+$0x0], $0xffff;
	v14 =	vadd.f32 $0.0e+00, v14;
	v18 =	vimm.s32 $0x2F;
	v22 =	vimm.s32 $0x31  }
0x9f: {  	v38 =	vld.idx.msk [tilespmem:v38+s8+$0x0], $0xffff;
	v20 =	vimm.s32 $0x30;
	v5 =	vadd.f32 v17, v5;
	v17 =	vmul.f32 v23, v21  }
0xa0: {  	v56 =	vimm.s32 $0x32;
	v62 =	vimm.s32 $0x36;
	v14 =	vadd.f32 v57, v14;
	v58 =	vld.idx.msk [tilespmem:v60+s8+$0x0], $0xffff  }
0xa1: {  	v8 =	vadd.f32 v17, v8;
	v17 =	vmul.f32 v28, v21;
	v60 =	vadd.s32 v59, v54;
	v23 =	vld.idx.msk [tilespmem:v61+s8+$0x0], $0xffff  }
0xa2: {  	v7 =	vadd.f32 v11, v7;
	v61 =	vmul.f32 v30, v21;
	v57 =	vld.idx.msk [tilespmem:v63+s8+$0x0], $0xffff;
	v63 =	vmul.f32 v24, v21  }
0xa3: {  	v40 =	vld.idx.msk [tilespmem:v40+s8+$0x0], $0xffff;
	v12 =	vadd.f32 v17, v12;
	v24 =	vmul.f32 v25, v21;
	v25 =	vimm.s32 $0x39  }
0xa4: {  	v16 =	vld.idx.msk [tilespmem:v16+s8+$0x0], $0xffff;
	v14 =	vadd.f32 v61, v14;
	v61 =	vadd.s32 $0x6, v2;
	v9 =	vadd.f32 v63, v9  }
0xa5: {  	v18 =	vld.idx.msk [tilespmem:v18+s8+$0x0], $0xffff;
	v63 =	vimm.s32 $0x3A;
	v10 =	vadd.f32 v24, v10;
	v24 =	vmul.f32 $4.999999890e-03, v27  }
0xa6: {  	v27 =	vimm.s32 $0x3B;
	v28 =	vld.idx.msk [tilespmem:v60+s9+$0x0], $0xffff;
	v60 =	vmul.f32 v29, v21;
	v21 =	vmul.f32 v31, v21  }
0xa7: {  	v39 =	vld.idx.msk [tilespmem:v39+s9+$0x0], $0xffff;
	v17 =	vmul.f32 v24, v32;
	v32 =	vimm.s32 $0x3D;
	v29 =	vmul.f32 v33, v24  }
0xa8: {  	v41 =	vld.idx.msk [tilespmem:v41+s8+$0x0], $0xffff;
	v31 =	vmul.f32 v34, v24;
	v33 =	vadd.s32 v61, v54;
	v61 =	vimm.s32 $0x40  }
0xa9: {  	v22 =	vld.idx.msk [tilespmem:v22+s8+$0x0], $0xffff;
	v16 =	vmul.f32 v16, v24;
	v11 =	vadd.f32 v60, v13;
	v60 =	vimm.s32 $0x3E  }
0xaa: {  	v20 =	vld.idx.msk [tilespmem:v20+s8+$0x0], $0xffff;
	v18 =	vmul.f32 v18, v24;
	v13 =	vimm.s32 $0x3C;
	v1 =	vadd.f32 v21, v1  }
0xab: {  	v56 =	vld.idx.msk [tilespmem:v56+s8+$0x0], $0xffff;
	v5 =	vadd.f32 v17, v5;
	v17 =	vmul.f32 v35, v24;
	v6 =	vadd.f32 v29, v6  }
0xac: {  	v7 =	vadd.f32 v31, v7;
	v35 =	vcvt.s32.f32 v39;
	v29 =	vmul.f32 v40, v24;
	v30 =	vld.idx.msk [tilespmem:v63+s8+$0x0], $0xffff  }
0xad: {  	v63 =	vimm.s32 $0x3F;
	v8 =	vadd.f32 v17, v8;
	v17 =	vmul.f32 v38, v24;
	v21 =	vld.idx.msk [tilespmem:v32+s8+$0x0], $0xffff  }
0xae: {  	v14 =	vadd.f32 v16, v14;
	v1 =	vadd.f32 v18, v1;
	v32 =	vld.idx.msk [tilespmem:v60+s8+$0x0], $0xffff;
	v60 =	vmul.f32 v36, v24  }
0xaf: {  	v38 =	vimm.s32 $0x44;
	v10 =	vadd.f32 v17, v10;
	v17 =	vmul.f32 $4.999999890e-03, v35  }
0xb0: {  	v12 =	vadd.f32 v29, v12;
	v31 =	vld.idx.msk [tilespmem:v61+s8+$0x0], $0xffff;
	v9 =	vadd.f32 v60, v9;
	v60 =	vmul.f32 v41, v24  }
0xb1: {  	v61 =	vimm.s32 $0x42;
	v24 =	vld.idx.msk [tilespmem:v33+s9+$0x0], $0xffff;
	v16 =	vmul.f32 v17, v20;
	v33 =	vmul.f32 v22, v17  }
0xb2: {  	v34 =	vld.idx.msk [tilespmem:v63+s8+$0x0], $0xffff;
	v63 =	vimm.s32 $0x41;
	v40 =	vmul.f32 v56, v17;
	v19 =	vmul.f32 v19, v17  }
0xb3: {  	v13 =	vld.idx.msk [tilespmem:v13+s8+$0x0], $0xffff;
	v41 =	vimm.s32 $0x45;
	v56 =	vcvt.s32.f32 v28;
	v23 =	vmul.f32 v23, v17  }
0xb4: {  	v22 =	vld.idx.msk [tilespmem:v38+s8+$0x0], $0xffff;
	v38 =	vimm.s32 $0x53;
	v11 =	vadd.f32 v60, v11;
	v5 =	vadd.f32 v16, v5  }
0xb5: {  	v62 =	vld.idx.msk [tilespmem:v62+s8+$0x0], $0xffff;
	v6 =	vadd.f32 v33, v6;
	v16 =	vmul.f32 v55, v17;
	v55 =	vimm.s32 $0x46  }
0xb6: {  	v25 =	vld.idx.msk [tilespmem:v25+s8+$0x0], $0xffff;
	v7 =	vadd.f32 v40, v7;
	v8 =	vadd.f32 v19, v8;
	v60 =	vimm.s32 $0x47  }
0xb7: {  	v39 =	vld.idx.msk [tilespmem:v61+s8+$0x0], $0xffff;
	v61 =	vimm.s32 $0x48;
	v18 =	vmul.f32 $4.999999890e-03, v56;
	v56 =	vimm.s32 $0x49  }
0xb8: {  	v27 =	vld.idx.msk [tilespmem:v27+s8+$0x0], $0xffff;
	v14 =	vadd.f32 v23, v14;
	v9 =	vadd.f32 v16, v9;
	v16 =	vmul.f32 v58, v17  }
0xb9: {  	v58 =	vimm.s32 $0x4B;
	v13 =	vmul.f32 v13, v18;
	v36 =	vld.idx.msk [tilespmem:v63+s8+$0x0], $0xffff;
	v63 =	vimm.s32 $0x43  }
0xba: {  	v24 =	vcvt.s32.f32 v24;
	v10 =	vadd.f32 v16, v10;
	v16 =	vmul.f32 v57, v17  }
0xbb: {  	v57 =	vimm.s32 $0x4A;
	v7 =	vadd.f32 v13, v7;
	v13 =	vmul.f32 v34, v18;
	v20 =	vld.idx.msk [tilespmem:v55+s8+$0x0], $0xffff  }
0xbc: {  	v34 =	vimm.s32 $0x50;
	v19 =	vld.idx.msk [tilespmem:v60+s8+$0x0], $0xffff;
	v55 =	vmul.f32 v62, v17;
	v17 =	vmul.f32 v25, v17  }
0xbd: {  	v28 =	vld.idx.msk [tilespmem:v61+s8+$0x0], $0xffff;
	v25 =	vmul.f32 v18, v30;
	v60 =	vimm.s32 $0x4C;
	v61 =	vmul.f32 v32, v18  }
0xbe: {  	v11 =	vadd.f32 v16, v11;
	v16 =	vmul.f32 v27, v18;
	v27 =	vimm.s32 $0x4E  }
0xbf: {  	v10 =	vadd.f32 v13, v10;
	v13 =	vmul.f32 $4.999999890e-03, v24;
	v12 =	vadd.f32 v55, v12  }
0xc0: {  	v29 =	vld.idx.msk [tilespmem:v41+s8+$0x0], $0xffff;
	v24 =	vimm.s32 $0x51;
	v1 =	vadd.f32 v17, v1;
	v5 =	vadd.f32 v25, v5  }
0xc1: {  	v40 =	vld.idx.msk [tilespmem:v56+s8+$0x0], $0xffff;
	v17 =	vimm.s32 $0x4D;
	v9 =	vadd.f32 v61, v9;
	v55 =	vimm.s32 $0x54  }
0xc2: {  	v30 =	vld.idx.msk [tilespmem:v58+s8+$0x0], $0xffff;
	v61 =	vimm.s32 $0x57;
	v6 =	vadd.f32 v16, v6;
	v16 =	vmul.f32 v21, v18  }
0xc3: {  	v35 =	vld.idx.msk [tilespmem:v63+s8+$0x0], $0xffff;
	v63 =	vadd.s32 $0x7, v2;
	v62 =	vmul.f32 v36, v18;
	v22 =	vmul.f32 v13, v22  }
0xc4: {  	v36 =	vadd.s32 $0x8, v2;
	v33 =	vadd.s32 v63, v54;
	v41 =	vld.idx.msk [tilespmem:v57+s8+$0x0], $0xffff;
	v63 =	vimm.s32 $0x4F  }
0xc5: {  	v21 =	vld.idx.msk [tilespmem:v34+s8+$0x0], $0xffff;
	v57 =	vimm.s32 $0x55;
	v8 =	vadd.f32 v16, v8;
	v16 =	vmul.f32 v31, v18  }
0xc6: {  	v23 =	vld.idx.msk [tilespmem:v60+s8+$0x0], $0xffff;
	v11 =	vadd.f32 v62, v11;
	v5 =	vadd.f32 v22, v5;
	v56 =	vmul.f32 v28, v13  }
0xc7: {  	v58 =	vmul.f32 v40, v13;
	v60 =	vimm.s32 $0x56;
	v40 =	vimm.s32 $0x5E;
	v27 =	vld.idx.msk [tilespmem:v27+s8+$0x0], $0xffff  }
0xc8: {  	v24 =	vld.idx.msk [tilespmem:v24+s8+$0x0], $0xffff;
	v12 =	vadd.f32 v16, v12;
	v16 =	vmul.f32 v39, v18;
	v39 =	vmul.f32 v20, v13  }
0xc9: {  	v30 =	vmul.f32 v30, v13;
	v34 =	vld.idx.msk [tilespmem:v61+s8+$0x0], $0xffff;
	v9 =	vadd.f32 v56, v9;
	v10 =	vadd.f32 v58, v10  }
0xca: {  	v61 =	vlaneseq.u32;
	v25 =	vld.idx.msk [tilespmem:v33+s9+$0x0], $0xffff;
	v14 =	vadd.f32 v16, v14;
	v16 =	vmul.f32 v29, v13  }
0xcb: {  	v17 =	vld.idx.msk [tilespmem:v17+s8+$0x0], $0xffff;
	v18 =	vmul.f32 v35, v18;
	v35 =	vimm.s32 $0x52;
	v33 =	vadd.s32 v36, v54  }
0xcc: {  	v20 =	vld.idx.msk [tilespmem:v55+s8+$0x0], $0xffff;
	v7 =	vadd.f32 v39, v7;
	v6 =	vadd.f32 v16, v6;
	v16 =	vmul.f32 v19, v13  }
0xcd: {  	v32 =	vld.idx.msk [tilespmem:v63+s8+$0x0], $0xffff;
	v11 =	vadd.f32 v30, v11;
	v30 =	vimm.s32 $0x59;
	v36 =	vimm.s32 $0x5C  }
0xce: {  	s13 =	sshll.u32 s12, $0x4;
	v29 =	vld.idx.msk [tilespmem:v38+s8+$0x0], $0xffff;
	v38 =	vimm.s32 $0x5D;
	v8 =	vadd.f32 v16, v8;
	v16 =	vmul.f32 v41, v13  }
0xcf: {  	v22 =	vld.idx.msk [tilespmem:v57+s8+$0x0], $0xffff;
	v57 =	vmov s13;
	v1 =	vadd.f32 v18, v1;
	v25 =	vcvt.s32.f32 v25  }
0xd0: {  	v56 =	vld.idx.msk [tilespmem:v43+s8+$0x0], $0xffff;
	v62 =	vmul.f32 v23, v13;
	v12 =	vadd.f32 v16, v12;
	v16 =	vimm.s32 $0x58  }
0xd1: {  	v31 =	vld.idx.msk [tilespmem:v35+s8+$0x0], $0xffff;
	v13 =	vmul.f32 v17, v13;
	v35 =	vimm.s32 $0x5B;
	v63 =	vmul.f32 $4.999999890e-03, v25  }
0xd2: {  	v58 =	vmul.u32 $0xA, v57;
	v14 =	vadd.f32 v62, v14;
	v25 =	vld.idx.msk [tilespmem:v33+s9+$0x0], $0xffff;
	v33 =	vimm.s32 $0x5A  }
0xd3: {  	v28 =	vld.idx.msk [tilespmem:v60+s8+$0x0], $0xffff;
	v41 =	vimm.s32 $0x5F;
	v1 =	vadd.f32 v13, v1;
	v17 =	vmul.f32 v63, v27  }
0xd4: {  	v18 =	vld.idx.msk [tilespmem:v30+s8+$0x0], $0xffff;
	v13 =	vmul.f32 v32, v63;
	v27 =	vadd.s32 $0x9, v2;
	v39 =	vmul.f32 v22, v63  }
0xd5: {  	v27 =	vadd.s32 v27, v54;
	v16 =	vld.idx.msk [tilespmem:v16+s8+$0x0], $0xffff;
	v5 =	vadd.f32 v17, v5;
	v17 =	vmul.f32 v21, v63  }
0xd6: {  	v54 =	vimm.s32 $0x60;
	v21 =	vld.idx.msk [tilespmem:v35+s8+$0x0], $0xffff;
	v6 =	vadd.f32 v13, v6;
	v13 =	vmul.f32 v24, v63  }
0xd7: {  	v24 =	vmul.f32 v31, v63;
	v19 =	vld.idx.msk [tilespmem:v33+s8+$0x0], $0xffff;
	v25 =	vcvt.s32.f32 v25;
	v7 =	vadd.f32 v17, v7  }
0xd8: {  	v17 =	vmul.f32 v29, v63;
	v29 =	vld.idx.msk [tilespmem:v38+s8+$0x0], $0xffff;
	v8 =	vadd.f32 v13, v8;
	v13 =	vmul.f32 v20, v63  }
0xd9: {  	v9 =	vadd.f32 v24, v9;
	v24 =	vmul.f32 v28, v63;
	v28 =	vld.idx.msk [tilespmem:v41+s8+$0x0], $0xffff;
	v25 =	vmul.f32 $4.999999890e-03, v25  }
0xda: {  	v10 =	vadd.f32 v17, v10;
	v12 =	vadd.f32 v13, v12;
	v13 =	vmul.f32 v34, v63;
	v17 =	vld.idx.msk [tilespmem:v27+s9+$0x0], $0xffff  }
0xdb: {  	v30 =	vld.idx.msk [tilespmem:v36+s8+$0x0], $0xffff;
	v11 =	vadd.f32 v39, v11;
	v14 =	vadd.f32 v24, v14;
	v16 =	vmul.f32 v25, v16  }
0xdc: {  	v60 =	vld.idx.msk [tilespmem:v45+s8+$0x0], $0xffff;
	v1 =	vadd.f32 v13, v1;
	v13 =	vmul.f32 v18, v25;
	v55 =	vmul.f32 v19, v25  }
0xdd: {  	v20 =	vld.idx.msk [tilespmem:v54+s8+$0x0], $0xffff;
	v18 =	vbroadcast v58, $0x0;
	v5 =	vadd.f32 v16, v5;
	v16 =	vmul.f32 v21, v25  }
0xde: {  	v22 =	vld.idx.msk [tilespmem:v40+s8+$0x0], $0xffff;
	v24 =	vmul.f32 v29, v25;
	v29 =	vmul.u32 $0xA, v61;
	v28 =	vmul.f32 v28, v25  }
0xdf: {  	v6 =	vadd.f32 v13, v6;
	v7 =	vadd.f32 v55, v7;
	v13 =	vld.idx.msk [tilespmem:v44+s8+$0x0], $0xffff;
	v17 =	vcvt.s32.f32 v17  }
0xe0: {  	v62 =	vld.idx.msk [tilespmem:v47+s8+$0x0], $0xffff;
	v8 =	vadd.f32 v16, v8;
	v16 =	vmul.f32 v30, v25;
	v36 =	vadd.s32 v29, v18  }
0xe1: {  	v39 =	vld.idx.msk [tilespmem:v52+s8+$0x0], $0xffff;
	v38 =	vor.u32 $0x1, v29;
	v10 =	vadd.f32 v24, v10;
	v17 =	vmul.f32 $4.999999890e-03, v17  }
0xe2: {  	v27 =	vld.idx.msk [tilespmem:v46+s8+$0x0], $0xffff;
	v11 =	vadd.f32 v28, v11;
	v20 =	vmul.f32 v20, v25;
	v40 =	vadd.s32 $0x2, v29  }
0xe3: {  	v63 =	vld.idx.msk [tilespmem:v49+s8+$0x0], $0xffff;
	v41 =	vadd.s32 $0x3, v29;
	v32 =	vadd.s32 v38, v18;
	v21 =	vmul.f32 v17, v56  }
0xe4: {  	v19 =	vld.idx.msk [tilespmem:v42+s8+$0x0], $0xffff;
	v9 =	vadd.f32 v16, v9;
	v16 =	vmul.f32 v22, v25;
	v13 =	vmul.f32 v13, v17  }
0xe5: {  	v24 =	vld.idx.msk [tilespmem:v50+s8+$0x0], $0xffff;
	v55 =	vadd.s32 $0x4, v29;
	v28 =	vadd.s32 v40, v18;
	v5 =	vadd.f32 v21, v5  }
0xe6: {  	v54 =	vadd.s32 v41, v18;
	v12 =	vadd.f32 v16, v12;
	v16 =	vld.idx.msk [tilespmem:v51+s8+$0x0], $0xffff;
	v6 =	vadd.f32 v13, v6  }
0xe7: {  	v14 =	vadd.f32 v20, v14;
	v13 =	vld.idx.msk [tilespmem:v53+s8+$0x0], $0xffff;
	[tilespmem:v36+s10+$0x0] =	vst.idx.msk $0xffff, v5;
	v5 =	vmul.f32 v60, v17  }
0xe8: {  	v56 =	vadd.s32 $0x5, v29;
	[tilespmem:v32+s10+$0x0] =	vst.idx.msk $0xffff, v6;
	v6 =	vmul.f32 v27, v17;
	v27 =	vadd.s32 v55, v18  }
0xe9: {  	v57 =	vadd.s32 v56, v18;
	v5 =	vadd.f32 v5, v7;
	v7 =	vmul.f32 v62, v17  }
0xea: {  	v58 =	vmul.f32 v63, v17;
	v60 =	vadd.s32 $0x6, v29;
	v6 =	vadd.f32 v6, v8  }
0xeb: {  	v61 =	vadd.s32 v60, v18;
	[tilespmem:v28+s10+$0x0] =	vst.idx.msk $0xffff, v5;
	v7 =	vadd.f32 v7, v9  }
0xec: {  	v62 =	vadd.s32 $0x7, v29;
	v5 =	vmul.f32 v19, v25;
	[tilespmem:v54+s10+$0x0] =	vst.idx.msk $0xffff, v6;
	v6 =	vadd.f32 v58, v10  }
0xed: {  	v63 =	vadd.s32 $0x8, v29;
	v9 =	vadd.s32 v62, v18;
	[tilespmem:v27+s10+$0x0] =	vst.idx.msk $0xffff, v7;
	v7 =	vmul.f32 v24, v17  }
0xee: {  	s12 =	sadd.s32 $0x1, s12;
	v10 =	vadd.s32 v63, v18;
	[tilespmem:v57+s10+$0x0] =	vst.idx.msk $0xffff, v6;
	v6 =	vmul.f32 v16, v17;
	v16 =	vadd.s32 $0x9, v29  }
0xef: {  	p0 =	sne.s32 s12, $0x20;
	v7 =	vadd.f32 v7, v12;
	v12 =	vadd.s32 v16, v18;
	v16 =	vmul.f32 v39, v17  }
.Ltmp1:
0xf0: {  	v1 =	vadd.f32 v5, v1;
	v5 =	vadd.f32 v6, v11;
	v6 =	vmul.f32 v13, v17;
	(pc) =	sbr.rel @p0 .LBB2_2-.Ltmp1, $4  }
0xf1: {  	[tilespmem:v61+s10+$0x0] =	vst.idx.msk $0xffff, v7;
	v7 =	vadd.f32 v16, v14  }
0xf2: {  	[tilespmem:v9+s10+$0x0] =	vst.idx.msk $0xffff, v5;
	v1 =	vadd.f32 v6, v1  }
0xf3: {  	[tilespmem:v10+s10+$0x0] =	vst.idx.msk $0xffff, v7  }
0xf4: {  	[tilespmem:v12+s10+$0x0] =	vst.idx.msk $0xffff, v1  }
0xf5: {  	s11 =	sadd.s32 $0x1, s11  }
0xf6: {  	p0 =	sne.s32 s11, s6  }
.Ltmp2:
0xf7: {  	_ = 	snop;
	(pc) =	sbr.rel @p0 .LBB2_1-.Ltmp2, $4  }
0xf8: {  	[hbm4b:s5+s2] =	stream.linear.scatter [tilespmem:s10], [sflag:$0x1], $0x1400, $0x38;
	[tilespmem:$0x1C880] =	vst v63  }
0xf9: {  	_ =	swait.ge [sflag:s7], $0x1400  }
0xfa: {  	[sflag:s7] =	ssyncset.done $0x0  }
0xfb: {  	[sflag:s7] =	ssyncadd.s32 $0xFFFFEC00  }
0xfc: {  	_ =	sfence.sel $0x180000  }
0xfd: {  	[bflag:$0x0] =	sbarrier.arrive $0xFFFF  }
0xfe: {  	p0 =	sne.s32 s0, $0x0;
	_ =	strace $0x90000047  }
0xff: {  	s0 =	sadd.s32 @!p0 $0x100000, s1;
	[bflag:$0x2] =	sbarrier.arrive $0xFFFF  }
0x100: {  	[sflag:s0] =	ssyncadd.tile.s32 @!p0 $0x1;
	_ =	shalt  }
.Lfunc_end2:
_tile_overlayer_lowered:
.L_overlay_start_2:
0x101: {  	(tag) =	ssettag $0x2  }
0x102: {  	s0 =	rddreg [dreg:$0x0];
	s2 =	stileid.u32  }
0x103: {  	s1 =	rddreg [dreg:$0x1];
	p0 =	sne.s32 s2, $0x0  }
0x104: {  	s3 =	rddreg [dreg:$0x2];
	[bflag:$0x3] =	sbarrier.arrive $0xFFFF;
	s2 =	simm.s32 @!p0 $0x1C01  }
0x105: {  	[timem:s3], [sflag:s2] =	dma.local @!p0 [hbm:s0], s1  }
0x106: {  	s0 =	simm.s32 @!p0 $0x1  }
0x107: {  	_ =	swait.ge @!p0 [sflag:s0], s1  }
0x108: {  	s1 =	ssub.s32 @!p0 $0x0, s1;
	[sflag:s0] =	ssyncset.done @!p0 $0x0  }
0x109: {  	[sflag:s0] =	ssyncadd.s32 @!p0 s1  }
0x10a: {  	[bflag:$0x3] =	sbarrier.arrive $0xFFFF  }
0x10b: {  	_ =	shalt  }

</sc_bundles>
